<compile_context>
chip_gen: v7x
topology: tpu7x:2x2x1
jax: 0.10.2.dev20260603
libtpu: 0.0.44.dev20260713+nightly
codegen_flags: <defaults>
</compile_context>

<pallas_src>
import functools

import jax
import jax.numpy as jnp
from jax import lax
from jax.experimental import pallas as pl
from jax.experimental.pallas import tpu as pltpu
from jax.experimental.pallas import tpu_sc as plsc

N = 100000
D = 16
H = 64
OUT = 16

_NC = 2
_NS = 16
_NW = _NC * _NS
_CH = 1000


def _sc_mesh():
    return plsc.VectorSubcoreMesh(core_axis_name="c", subcore_axis_name="s")


_SC_PARAMS = pltpu.CompilerParams(use_tc_tiling_on_sc=False)


_LOG2_C = (-3.028317481039271, 6.065830143185771, -5.2641104770847,
           3.2188328370634505, -1.2342631730389073, 0.2668588228611466,
           -0.024825606614389147)
_LN2 = 0.6931471805599453


def _pre_body(ef, la, neg):
    e = ef[...]
    bits = lax.bitcast_convert_type(e, jnp.int32)
    a = bits & jnp.int32(0x7FFFFFFF)
    expo = (a >> 23).astype(jnp.float32) - 127.0
    m = lax.bitcast_convert_type((a & jnp.int32(0x7FFFFF)) | jnp.int32(0x3F800000),
                                 jnp.float32)
    p = jnp.float32(_LOG2_C[6])
    for c in _LOG2_C[5::-1]:
        p = p * m + jnp.float32(c)
    la[...] = _LN2 * (expo + p)
    neg[...] = jnp.where(bits < 0, 1.0, 0.0).astype(jnp.float32)


def _pre(ef_c):
    E2 = ef_c.shape[0]
    R2 = 400
    cspec = pl.BlockSpec((R2, 128), lambda i: (i, 0))
    out = jax.ShapeDtypeStruct((E2, 128), jnp.float32)
    return pl.pallas_call(
        _pre_body,
        grid=(E2 // R2,),
        in_specs=[cspec],
        out_specs=[cspec, cspec],
        out_shape=[out, out],
    )(ef_c)


def _scatter_loop(tbl, u_hbm, v_hbm, src_hbm, idx_u, idx_v, vals, base0, nch):
    def step(k, carry):
        base = base0 + k * _CH
        pltpu.sync_copy(u_hbm.at[pl.ds(base, _CH)], idx_u)
        pltpu.sync_copy(v_hbm.at[pl.ds(base, _CH)], idx_v)
        pltpu.sync_copy(src_hbm.at[pl.ds(base, _CH)], vals)
        pltpu.sync_copy(vals, tbl.at[idx_u], add=True)
        pltpu.sync_copy(vals, tbl.at[idx_v], add=True)
        return carry

    lax.fori_loop(0, nch, step, 0)


def _a1_body(E, u_hbm, v_hbm, ef_hbm, la_hbm, z_hbm, sum_out, la_out,
             idx_u, idx_v, vals, tbl):
    c = lax.axis_index("c")
    s = lax.axis_index("s")
    rows = N // _NS
    pltpu.sync_copy(z_hbm.at[pl.ds(s * rows, rows)], tbl.at[pl.ds(s * rows, rows)])
    plsc.subcore_barrier()
    ept = E // _NS
    nch = ept // _CH

    @pl.when(c == 0)
    def _():
        _scatter_loop(tbl, u_hbm, v_hbm, ef_hbm, idx_u, idx_v, vals, s * ept, nch)

    @pl.when(c == 1)
    def _():
        _scatter_loop(tbl, u_hbm, v_hbm, la_hbm, idx_u, idx_v, vals, s * ept, nch)

    plsc.subcore_barrier()

    @pl.when(c == 0)
    def _():
        pltpu.sync_copy(tbl.at[pl.ds(s * rows, rows)], sum_out.at[pl.ds(s * rows, rows)])

    @pl.when(c == 1)
    def _():
        pltpu.sync_copy(tbl.at[pl.ds(s * rows, rows)], la_out.at[pl.ds(s * rows, rows)])


def _a1(u, v, ef_c, la_c, zeros):
    E = u.shape[0]
    tab = jax.ShapeDtypeStruct((N, D), jnp.float32)
    k = pl.kernel(
        functools.partial(_a1_body, E),
        mesh=_sc_mesh(),
        compiler_params=_SC_PARAMS,
        out_type=[tab, tab],
        scratch_types=[
            pltpu.VMEM((_CH,), jnp.int32),
            pltpu.VMEM((_CH,), jnp.int32),
            pltpu.VMEM((_CH, D), jnp.float32),
            pltpu.VMEM_SHARED((N, D), jnp.float32),
        ],
    )
    return k(u, v, ef_c, la_c, zeros)


def _a2_body(E, u_hbm, v_hbm, neg_hbm, z_hbm, nc0_out, nc1_out,
             idx_u, idx_v, vals, tbl):
    c = lax.axis_index("c")
    s = lax.axis_index("s")
    rows = N // _NS
    pltpu.sync_copy(z_hbm.at[pl.ds(s * rows, rows)], tbl.at[pl.ds(s * rows, rows)])
    plsc.subcore_barrier()
    half = E // _NC
    ept = half // _NS
    nch = ept // _CH
    base0 = c * half + s * ept
    _scatter_loop(tbl, u_hbm, v_hbm, neg_hbm, idx_u, idx_v, vals, base0, nch)
    plsc.subcore_barrier()

    @pl.when(c == 0)
    def _():
        pltpu.sync_copy(tbl.at[pl.ds(s * rows, rows)], nc0_out.at[pl.ds(s * rows, rows)])

    @pl.when(c == 1)
    def _():
        pltpu.sync_copy(tbl.at[pl.ds(s * rows, rows)], nc1_out.at[pl.ds(s * rows, rows)])


def _a2(u, v, neg_c, zeros):
    E = u.shape[0]
    tab = jax.ShapeDtypeStruct((N, D), jnp.float32)
    k = pl.kernel(
        functools.partial(_a2_body, E),
        mesh=_sc_mesh(),
        compiler_params=_SC_PARAMS,
        out_type=[tab, tab],
        scratch_types=[
            pltpu.VMEM((_CH,), jnp.int32),
            pltpu.VMEM((_CH,), jnp.int32),
            pltpu.VMEM((_CH, D), jnp.float32),
            pltpu.VMEM_SHARED((N, D), jnp.float32),
        ],
    )
    return k(u, v, neg_c, zeros)


def _transform_body(la, nc0, nc1, mul):
    cnt = (nc0[...] + nc1[...]).astype(jnp.int32)
    sign = jnp.where(cnt & 1 == 1, -1.0, 1.0).astype(jnp.float32)
    mul[...] = jnp.exp(la[...]) * sign


def _transform(la_tab, nc0, nc1):
    R = 2000
    spec = pl.BlockSpec((R, D), lambda i: (i, 0))
    return pl.pallas_call(
        _transform_body,
        grid=(N // R,),
        in_specs=[spec, spec, spec],
        out_specs=spec,
        out_shape=jax.ShapeDtypeStruct((N, D), jnp.float32),
    )(la_tab, nc0, nc1)


_CHB = 400


def _gather_body(E, sum_hbm, mul_hbm, u_hbm, v_hbm,
                 su_hbm, sv_hbm, mu_hbm, mv_hbm,
                 idx_u0, idx_v0, bsu0, bsv0, bmu0, bmv0,
                 idx_u1, idx_v1, bsu1, bsv1, bmu1, bmv1,
                 sem0, sem1):
    wid = lax.axis_index("s") * _NC + lax.axis_index("c")
    epw = E // _NW
    nchunk = epw // _CHB
    bufs = ((idx_u0, idx_v0, bsu0, bsv0, bmu0, bmv0, sem0),
            (idx_u1, idx_v1, bsu1, bsv1, bmu1, bmv1, sem1))

    def fire(k, buf):
        iu, iv, bsu, bsv, bmu, bmv, sem = buf
        base = wid * epw + k * _CHB
        pltpu.sync_copy(u_hbm.at[pl.ds(base, _CHB)], iu)
        pltpu.sync_copy(v_hbm.at[pl.ds(base, _CHB)], iv)
        pltpu.async_copy(sum_hbm.at[iu], bsu, sem)
        pltpu.async_copy(sum_hbm.at[iv], bsv, sem)
        pltpu.async_copy(mul_hbm.at[iu], bmu, sem)
        pltpu.async_copy(mul_hbm.at[iv], bmv, sem)

    def drain(k, buf):
        iu, iv, bsu, bsv, bmu, bmv, sem = buf
        base = wid * epw + k * _CHB
        pltpu.make_async_copy(sum_hbm.at[iu], bsu, sem).wait()
        pltpu.make_async_copy(sum_hbm.at[iv], bsv, sem).wait()
        pltpu.make_async_copy(mul_hbm.at[iu], bmu, sem).wait()
        pltpu.make_async_copy(mul_hbm.at[iv], bmv, sem).wait()
        pltpu.sync_copy(bsu, su_hbm.at[pl.ds(base, _CHB)])
        pltpu.sync_copy(bsv, sv_hbm.at[pl.ds(base, _CHB)])
        pltpu.sync_copy(bmu, mu_hbm.at[pl.ds(base, _CHB)])
        pltpu.sync_copy(bmv, mv_hbm.at[pl.ds(base, _CHB)])

    fire(0, bufs[0])

    def step(k, carry):
        @pl.when(k + 1 < nchunk)
        def _():
            @pl.when(k % 2 == 0)
            def _():
                fire(k + 1, bufs[1])

            @pl.when(k % 2 == 1)
            def _():
                fire(k + 1, bufs[0])

        @pl.when(k % 2 == 0)
        def _():
            drain(k, bufs[0])

        @pl.when(k % 2 == 1)
        def _():
            drain(k, bufs[1])

        return carry

    lax.fori_loop(0, nchunk, step, 0)


def _sc_gather(agg_sum, agg_mul, u, v):
    E = u.shape[0]
    row = jax.ShapeDtypeStruct((E, D), jnp.float32)
    buf = [
        pltpu.VMEM((_CHB,), jnp.int32),
        pltpu.VMEM((_CHB,), jnp.int32),
        pltpu.VMEM((_CHB, D), jnp.float32),
        pltpu.VMEM((_CHB, D), jnp.float32),
        pltpu.VMEM((_CHB, D), jnp.float32),
        pltpu.VMEM((_CHB, D), jnp.float32),
    ]
    k = pl.kernel(
        functools.partial(_gather_body, E),
        mesh=_sc_mesh(),
        compiler_params=_SC_PARAMS,
        out_type=[row, row, row, row],
        scratch_types=buf + buf + [
            pltpu.SemaphoreType.DMA,
            pltpu.SemaphoreType.DMA,
        ],
    )
    return k(agg_sum, agg_mul, u, v)


def _mlp_body(ef, su, sv, mu, mv, wa, wb, wc, wd, we, b1t, w2k, b2t, out):
    bf = jnp.bfloat16
    acc = jnp.dot(ef[...].astype(bf), wa[...], preferred_element_type=jnp.float32)
    acc += jnp.dot(su[...].astype(bf), wb[...], preferred_element_type=jnp.float32)
    acc += jnp.dot(sv[...].astype(bf), wc[...], preferred_element_type=jnp.float32)
    acc += jnp.dot(mu[...].astype(bf), wd[...], preferred_element_type=jnp.float32)
    acc += jnp.dot(mv[...].astype(bf), we[...], preferred_element_type=jnp.float32)
    a = jnp.maximum(acc + b1t[...], 0.0).astype(bf)
    out[...] = jnp.dot(a, w2k[...], preferred_element_type=jnp.float32) + b2t[...]


def _mlp(ef_c, su, sv, mu, mv, W1, b1, W2, b2):
    E2 = ef_c.shape[0]
    R2 = 1000
    grid = E2 // R2
    W1T = W1.T
    w1a, w1b, w1c, w1d, w1e = (W1T[i * D:(i + 1) * D] for i in range(5))
    w1a = w1a - w1b - w1c
    eye = jnp.eye(8, dtype=jnp.float32)
    ws = [jnp.kron(eye, w).astype(jnp.bfloat16)
          for w in (w1a, w1b, w1c, w1d, w1e)]
    w2k = jnp.kron(eye, W2.T).astype(jnp.bfloat16)
    b1t = jnp.tile(b1, 8).reshape(1, 8 * H)
    b2t = jnp.tile(b2, 8).reshape(1, 128)
    cspec = pl.BlockSpec((R2, 128), lambda i: (i, 0))
    wspec = pl.BlockSpec((128, 8 * H), lambda i: (0, 0))
    out_c = pl.pallas_call(
        _mlp_body,
        grid=(grid,),
        in_specs=[cspec] * 5 + [wspec] * 5 + [
            pl.BlockSpec((1, 8 * H), lambda i: (0, 0)),
            pl.BlockSpec((8 * H, 128), lambda i: (0, 0)),
            pl.BlockSpec((1, 128), lambda i: (0, 0)),
        ],
        out_specs=cspec,
        out_shape=jax.ShapeDtypeStruct((E2, 128), jnp.float32),
    )(ef_c, su, sv, mu, mv, *ws, b1t, w2k, b2t)
    return out_c


def kernel(edge_features, edge_index, num_nodes, W1, b1, W2, b2):
    E = edge_features.shape[0]
    E2 = E // 8
    u = edge_index[0]
    v = edge_index[1]
    ef_c = edge_features.reshape(E2, 128)
    la_c, neg_c = _pre(ef_c)
    zeros = jnp.zeros((N, D), jnp.float32)
    sum_tab, la_tab = _a1(u, v, ef_c.reshape(E, D), la_c.reshape(E, D), zeros)
    nc0, nc1 = _a2(u, v, neg_c.reshape(E, D), zeros)
    mul_tab = _transform(la_tab, nc0, nc1)
    su, sv, mu, mv = _sc_gather(sum_tab, mul_tab, u, v)
    out_c = _mlp(ef_c, su.reshape(E2, 128), sv.reshape(E2, 128),
                 mu.reshape(E2, 128), mv.reshape(E2, 128), W1, b1, W2, b2)
    return out_c.reshape(E, OUT)

# --- scband reference (transcript-rebuilt; emitter-appended) ---
"""Pipeline reference for scband-edge-message-passing-36197984370754 (READ-ONLY COPY).

The authoritative reference and input builder live on the scoring server;
editing this copy changes nothing except your own understanding.
"""

import jax, jax.numpy as jnp
import numpy as np

N_NODES = 100000
E = 1600000
D = 16
H = 64
OUT = 16


def setup_inputs(seed: int = 0) -> dict:
    key = jax.random.key(seed)
    k1, k2, k3, k4 = jax.random.split(key, 4)
    edge_features = jax.random.normal(k1, (E, D), dtype=jnp.float32)
    edge_index = jax.random.randint(k2, (2, E), 0, N_NODES, dtype=jnp.int32)
    # MLP params: Linear(5*D -> H), ReLU, Linear(H -> OUT)  (torch convention: y = x @ W.T + b)
    W1 = (jax.random.normal(k3, (H, 5 * D), dtype=jnp.float32) * 0.05)
    b1 = jnp.zeros((H,), dtype=jnp.float32)
    W2 = (jax.random.normal(k4, (OUT, H), dtype=jnp.float32) * 0.05)
    b2 = jnp.zeros((OUT,), dtype=jnp.float32)
    return {"edge_features": edge_features, "edge_index": edge_index, "num_nodes": N_NODES,
            "W1": W1, "b1": b1, "W2": W2, "b2": b2}


def reference(edge_features, edge_index, num_nodes, W1, b1, W2, b2):
    ids = jnp.concatenate([edge_index[0], edge_index[1]], axis=0)
    ids = jnp.minimum(ids, num_nodes - 1)
    rep = jnp.concatenate([edge_features, edge_features], axis=0)
    # scatter-add per node
    agg_sum = jax.ops.segment_sum(rep, ids, num_segments=N_NODES)
    # scatter-mul per node (torch_scatter reduce='mul' initializes empty slots to 1)
    agg_mul = jnp.ones((N_NODES, rep.shape[1]), dtype=rep.dtype).at[ids].multiply(rep)
    message_sum_u = agg_sum[edge_index[0]] - edge_features
    message_sum_v = agg_sum[edge_index[1]] - edge_features
    message_mul_u = agg_mul[edge_index[0]]
    message_mul_v = agg_mul[edge_index[1]]
    h = jnp.concatenate([edge_features, message_sum_u, message_sum_v,
                         message_mul_u, message_mul_v], axis=-1)
    h = jax.nn.relu(h @ W1.T + b1)
    out = h @ W2.T + b2
    return out

if __name__ == "__main__":
    import jax
    _d = setup_inputs()
    print(jax.jit(kernel)(*tuple(_d.values())))

</pallas_src>

<mosaic_0001>
#map = affine_map<(d0, d1) -> (0, 0)>
#map1 = affine_map<(d0, d1) -> (0)>
module attributes {stable_mosaic.version = 14 : i64} {
  func.func @_gather_body(%arg0: i32, %arg1: i32, %arg2: memref<100000x16xf32, #tpu.memory_space<hbm>>, %arg3: memref<100000x16xf32, #tpu.memory_space<hbm>>, %arg4: memref<1600000xi32, #tpu.memory_space<hbm>>, %arg5: memref<1600000xi32, #tpu.memory_space<hbm>>, %arg6: memref<1600000x16xf32, #tpu.memory_space<hbm>>, %arg7: memref<1600000x16xf32, #tpu.memory_space<hbm>>, %arg8: memref<1600000x16xf32, #tpu.memory_space<hbm>>, %arg9: memref<1600000x16xf32, #tpu.memory_space<hbm>>, %arg10: memref<400xi32, #tpu.memory_space<vmem>>, %arg11: memref<400xi32, #tpu.memory_space<vmem>>, %arg12: memref<400x16xf32, #tpu.memory_space<vmem>>, %arg13: memref<400x16xf32, #tpu.memory_space<vmem>>, %arg14: memref<400x16xf32, #tpu.memory_space<vmem>>, %arg15: memref<400x16xf32, #tpu.memory_space<vmem>>, %arg16: memref<400xi32, #tpu.memory_space<vmem>>, %arg17: memref<400xi32, #tpu.memory_space<vmem>>, %arg18: memref<400x16xf32, #tpu.memory_space<vmem>>, %arg19: memref<400x16xf32, #tpu.memory_space<vmem>>, %arg20: memref<400x16xf32, #tpu.memory_space<vmem>>, %arg21: memref<400x16xf32, #tpu.memory_space<vmem>>, %arg22: memref<!tpu.dma_semaphore, #tpu.memory_space<semaphore_mem>>, %arg23: memref<!tpu.dma_semaphore, #tpu.memory_space<semaphore_mem>>) attributes {dimension_semantics = [#tpu.dimension_semantics<core_parallel>, #tpu.dimension_semantics<subcore_parallel>], iteration_bounds = array<i64: 2, 16>, scalar_prefetch = 0 : i64, scratch_operands = 14 : i64, tpu.core_type = #tpu.core_type<sc_vector_subcore>, window_params = [{transform_indices = #map}, {transform_indices = #map}, {transform_indices = #map1}, {transform_indices = #map1}, {transform_indices = #map}, {transform_indices = #map}, {transform_indices = #map}, {transform_indices = #map}]} {
    %mul3A = arith.constant 2 : i32
    %mul3A_0 = arith.muli %arg1, %mul3A : i32
    %add3A = arith.addi %mul3A_0, %arg0 : i32
    %mul3A_1 = arith.constant 50000 : i32
    %mul3A_2 = arith.muli %add3A, %mul3A_1 : i32
    %add3A_3 = arith.constant 0 : i32
    %add3A_4 = arith.addi %mul3A_2, %add3A_3 : i32
    "tpu.region"() ({
      %run_scoped3A = tpu.sem_alloc : memref<!tpu.dma_semaphore, #tpu.memory_space<semaphore_mem>>
      %dma_start3A_21 = tpu.memref_slice %arg4[%add3A_4] : memref<1600000xi32, #tpu.memory_space<hbm>> -> memref<400xi32, #tpu.memory_space<hbm>>
      %dma_start3A_22 = tpu.memref_slice %arg4[%add3A_4] : memref<1600000xi32, #tpu.memory_space<hbm>> -> memref<400xi32, #tpu.memory_space<hbm>>
      tpu.enqueue_dma source(%dma_start3A_22 : memref<400xi32, #tpu.memory_space<hbm>>) target(%arg10 : memref<400xi32, #tpu.memory_space<vmem>>) target_semaphore(%run_scoped3A : memref<!tpu.dma_semaphore, #tpu.memory_space<semaphore_mem>>)
      %dma_wait3A = tpu.memref_slice %arg4[%add3A_4] : memref<1600000xi32, #tpu.memory_space<hbm>> -> memref<400xi32, #tpu.memory_space<hbm>>
      %dma_wait3A_23 = tpu.memref_slice %arg4[%add3A_4] : memref<1600000xi32, #tpu.memory_space<hbm>> -> memref<400xi32, #tpu.memory_space<hbm>>
      tpu.wait_dma2 semaphore(%run_scoped3A : memref<!tpu.dma_semaphore, #tpu.memory_space<semaphore_mem>>) src(%dma_wait3A_23 : memref<400xi32, #tpu.memory_space<hbm>>) dst(%arg10 : memref<400xi32, #tpu.memory_space<vmem>>)
      tpu.yield
    }) : () -> ()
    "tpu.region"() ({
      %run_scoped3A = tpu.sem_alloc : memref<!tpu.dma_semaphore, #tpu.memory_space<semaphore_mem>>
      %dma_start3A_21 = tpu.memref_slice %arg5[%add3A_4] : memref<1600000xi32, #tpu.memory_space<hbm>> -> memref<400xi32, #tpu.memory_space<hbm>>
      %dma_start3A_22 = tpu.memref_slice %arg5[%add3A_4] : memref<1600000xi32, #tpu.memory_space<hbm>> -> memref<400xi32, #tpu.memory_space<hbm>>
      tpu.enqueue_dma source(%dma_start3A_22 : memref<400xi32, #tpu.memory_space<hbm>>) target(%arg11 : memref<400xi32, #tpu.memory_space<vmem>>) target_semaphore(%run_scoped3A : memref<!tpu.dma_semaphore, #tpu.memory_space<semaphore_mem>>)
      %dma_wait3A = tpu.memref_slice %arg5[%add3A_4] : memref<1600000xi32, #tpu.memory_space<hbm>> -> memref<400xi32, #tpu.memory_space<hbm>>
      %dma_wait3A_23 = tpu.memref_slice %arg5[%add3A_4] : memref<1600000xi32, #tpu.memory_space<hbm>> -> memref<400xi32, #tpu.memory_space<hbm>>
      tpu.wait_dma2 semaphore(%run_scoped3A : memref<!tpu.dma_semaphore, #tpu.memory_space<semaphore_mem>>) src(%dma_wait3A_23 : memref<400xi32, #tpu.memory_space<hbm>>) dst(%arg11 : memref<400xi32, #tpu.memory_space<vmem>>)
      tpu.yield
    }) : () -> ()
    %dma_start3A = arith.constant 0 : i32
    %dma_start3A_5 = arith.constant 0 : i32
    %dma_start3A_6 = tpu.memref_slice %arg2[%dma_start3A, %dma_start3A_5] : memref<100000x16xf32, #tpu.memory_space<hbm>> -> memref<100000x16xf32, #tpu.memory_space<hbm>>
    tpu.enqueue_indirect_dma source(%dma_start3A_6 : memref<100000x16xf32, #tpu.memory_space<hbm>>) target(%arg12 : memref<400x16xf32, #tpu.memory_space<vmem>>) offsets(%arg10 : memref<400xi32, #tpu.memory_space<vmem>>) semaphore(%arg22 : memref<!tpu.dma_semaphore, #tpu.memory_space<semaphore_mem>>)
    %dma_start3A_7 = arith.constant 0 : i32
    %dma_start3A_8 = arith.constant 0 : i32
    %dma_start3A_9 = tpu.memref_slice %arg2[%dma_start3A_7, %dma_start3A_8] : memref<100000x16xf32, #tpu.memory_space<hbm>> -> memref<100000x16xf32, #tpu.memory_space<hbm>>
    tpu.enqueue_indirect_dma source(%dma_start3A_9 : memref<100000x16xf32, #tpu.memory_space<hbm>>) target(%arg13 : memref<400x16xf32, #tpu.memory_space<vmem>>) offsets(%arg11 : memref<400xi32, #tpu.memory_space<vmem>>) semaphore(%arg22 : memref<!tpu.dma_semaphore, #tpu.memory_space<semaphore_mem>>)
    %dma_start3A_10 = arith.constant 0 : i32
    %dma_start3A_11 = arith.constant 0 : i32
    %dma_start3A_12 = tpu.memref_slice %arg3[%dma_start3A_10, %dma_start3A_11] : memref<100000x16xf32, #tpu.memory_space<hbm>> -> memref<100000x16xf32, #tpu.memory_space<hbm>>
    tpu.enqueue_indirect_dma source(%dma_start3A_12 : memref<100000x16xf32, #tpu.memory_space<hbm>>) target(%arg14 : memref<400x16xf32, #tpu.memory_space<vmem>>) offsets(%arg10 : memref<400xi32, #tpu.memory_space<vmem>>) semaphore(%arg22 : memref<!tpu.dma_semaphore, #tpu.memory_space<semaphore_mem>>)
    %dma_start3A_13 = arith.constant 0 : i32
    %dma_start3A_14 = arith.constant 0 : i32
    %dma_start3A_15 = tpu.memref_slice %arg3[%dma_start3A_13, %dma_start3A_14] : memref<100000x16xf32, #tpu.memory_space<hbm>> -> memref<100000x16xf32, #tpu.memory_space<hbm>>
    tpu.enqueue_indirect_dma source(%dma_start3A_15 : memref<100000x16xf32, #tpu.memory_space<hbm>>) target(%arg15 : memref<400x16xf32, #tpu.memory_space<vmem>>) offsets(%arg11 : memref<400xi32, #tpu.memory_space<vmem>>) semaphore(%arg22 : memref<!tpu.dma_semaphore, #tpu.memory_space<semaphore_mem>>)
    %scan3A = arith.constant 0 : i32
    %scan3A_16 = arith.constant 0 : i32
    %scan3A_17 = arith.constant 125 : i32
    %scan3A_18 = arith.addi %scan3A_16, %scan3A_17 : i32
    %scan3A_19 = arith.constant 1 : i32
    scf.for %scan3A_21 = %scan3A_16 to %scan3A_18 step %scan3A_19  : i32 {
      %add3A_22 = arith.constant 1 : i32
      %add3A_23 = arith.addi %scan3A_21, %add3A_22 : i32
      %lt3A = arith.constant 125 : i32
      %lt3A_24 = arith.cmpi slt, %add3A_23, %lt3A : i32
      %convert_element_type3A = arith.extui %lt3A_24 : i1 to i32
      %cond3A = arith.constant 0 : i32
      %cond3A_25 = arith.cmpi ne, %convert_element_type3A, %cond3A : i32
      scf.if %cond3A_25 {
        %jit3A_62 = arith.constant 2 : i32
        %eq3A_63 = arith.constant 0 : i32
        %eq3A_64 = arith.cmpi eq, %jit3A_62, %eq3A_63 : i32
        %jit3A_65 = arith.constant 1 : i32
        %select_n3A_66 = arith.select %eq3A_64, %jit3A_65, %jit3A_62 : i32
        %rem3A_67 = arith.remsi %scan3A_21, %select_n3A_66 : i32
        %ne3A_68 = arith.constant 0 : i32
        %ne3A_69 = arith.cmpi ne, %rem3A_67, %ne3A_68 : i32
        %lt3A_70 = arith.constant 0 : i32
        %lt3A_71 = arith.cmpi slt, %rem3A_67, %lt3A_70 : i32
        %lt3A_72 = arith.constant 0 : i32
        %lt3A_73 = arith.cmpi slt, %select_n3A_66, %lt3A_72 : i32
        %ne3A_74 = arith.xori %lt3A_71, %lt3A_73 : i1
        %and3A_75 = arith.andi %ne3A_74, %ne3A_69 : i1
        %add3A_76 = arith.addi %rem3A_67, %select_n3A_66 : i32
        %select_n3A_77 = arith.select %and3A_75, %add3A_76, %rem3A_67 : i32
        %eq3A_78 = arith.constant 0 : i32
        %eq3A_79 = arith.cmpi eq, %select_n3A_77, %eq3A_78 : i32
        %convert_element_type3A_80 = arith.extui %eq3A_79 : i1 to i32
        %cond3A_81 = arith.constant 0 : i32
        %cond3A_82 = arith.cmpi ne, %convert_element_type3A_80, %cond3A_81 : i32
        scf.if %cond3A_82 {
          %add3A_104 = arith.constant 1 : i32
          %add3A_105 = arith.addi %scan3A_21, %add3A_104 : i32
          %mul3A_106 = arith.constant 50000 : i32
          %mul3A_107 = arith.muli %add3A, %mul3A_106 : i32
          %mul3A_108 = arith.constant 400 : i32
          %mul3A_109 = arith.muli %add3A_105, %mul3A_108 : i32
          %add3A_110 = arith.addi %mul3A_107, %mul3A_109 : i32
          "tpu.region"() ({
            %run_scoped3A = tpu.sem_alloc : memref<!tpu.dma_semaphore, #tpu.memory_space<semaphore_mem>>
            %dma_start3A_123 = tpu.memref_slice %arg4[%add3A_110] : memref<1600000xi32, #tpu.memory_space<hbm>> -> memref<400xi32, #tpu.memory_space<hbm>>
            %dma_start3A_124 = tpu.memref_slice %arg4[%add3A_110] : memref<1600000xi32, #tpu.memory_space<hbm>> -> memref<400xi32, #tpu.memory_space<hbm>>
            tpu.enqueue_dma source(%dma_start3A_124 : memref<400xi32, #tpu.memory_space<hbm>>) target(%arg16 : memref<400xi32, #tpu.memory_space<vmem>>) target_semaphore(%run_scoped3A : memref<!tpu.dma_semaphore, #tpu.memory_space<semaphore_mem>>)
            %dma_wait3A = tpu.memref_slice %arg4[%add3A_110] : memref<1600000xi32, #tpu.memory_space<hbm>> -> memref<400xi32, #tpu.memory_space<hbm>>
            %dma_wait3A_125 = tpu.memref_slice %arg4[%add3A_110] : memref<1600000xi32, #tpu.memory_space<hbm>> -> memref<400xi32, #tpu.memory_space<hbm>>
            tpu.wait_dma2 semaphore(%run_scoped3A : memref<!tpu.dma_semaphore, #tpu.memory_space<semaphore_mem>>) src(%dma_wait3A_125 : memref<400xi32, #tpu.memory_space<hbm>>) dst(%arg16 : memref<400xi32, #tpu.memory_space<vmem>>)
            tpu.yield
          }) : () -> ()
          "tpu.region"() ({
            %run_scoped3A = tpu.sem_alloc : memref<!tpu.dma_semaphore, #tpu.memory_space<semaphore_mem>>
            %dma_start3A_123 = tpu.memref_slice %arg5[%add3A_110] : memref<1600000xi32, #tpu.memory_space<hbm>> -> memref<400xi32, #tpu.memory_space<hbm>>
            %dma_start3A_124 = tpu.memref_slice %arg5[%add3A_110] : memref<1600000xi32, #tpu.memory_space<hbm>> -> memref<400xi32, #tpu.memory_space<hbm>>
            tpu.enqueue_dma source(%dma_start3A_124 : memref<400xi32, #tpu.memory_space<hbm>>) target(%arg17 : memref<400xi32, #tpu.memory_space<vmem>>) target_semaphore(%run_scoped3A : memref<!tpu.dma_semaphore, #tpu.memory_space<semaphore_mem>>)
            %dma_wait3A = tpu.memref_slice %arg5[%add3A_110] : memref<1600000xi32, #tpu.memory_space<hbm>> -> memref<400xi32, #tpu.memory_space<hbm>>
            %dma_wait3A_125 = tpu.memref_slice %arg5[%add3A_110] : memref<1600000xi32, #tpu.memory_space<hbm>> -> memref<400xi32, #tpu.memory_space<hbm>>
            tpu.wait_dma2 semaphore(%run_scoped3A : memref<!tpu.dma_semaphore, #tpu.memory_space<semaphore_mem>>) src(%dma_wait3A_125 : memref<400xi32, #tpu.memory_space<hbm>>) dst(%arg17 : memref<400xi32, #tpu.memory_space<vmem>>)
            tpu.yield
          }) : () -> ()
          %dma_start3A_111 = arith.constant 0 : i32
          %dma_start3A_112 = arith.constant 0 : i32
          %dma_start3A_113 = tpu.memref_slice %arg2[%dma_start3A_111, %dma_start3A_112] : memref<100000x16xf32, #tpu.memory_space<hbm>> -> memref<100000x16xf32, #tpu.memory_space<hbm>>
          tpu.enqueue_indirect_dma source(%dma_start3A_113 : memref<100000x16xf32, #tpu.memory_space<hbm>>) target(%arg18 : memref<400x16xf32, #tpu.memory_space<vmem>>) offsets(%arg16 : memref<400xi32, #tpu.memory_space<vmem>>) semaphore(%arg23 : memref<!tpu.dma_semaphore, #tpu.memory_space<semaphore_mem>>)
          %dma_start3A_114 = arith.constant 0 : i32
          %dma_start3A_115 = arith.constant 0 : i32
          %dma_start3A_116 = tpu.memref_slice %arg2[%dma_start3A_114, %dma_start3A_115] : memref<100000x16xf32, #tpu.memory_space<hbm>> -> memref<100000x16xf32, #tpu.memory_space<hbm>>
          tpu.enqueue_indirect_dma source(%dma_start3A_116 : memref<100000x16xf32, #tpu.memory_space<hbm>>) target(%arg19 : memref<400x16xf32, #tpu.memory_space<vmem>>) offsets(%arg17 : memref<400xi32, #tpu.memory_space<vmem>>) semaphore(%arg23 : memref<!tpu.dma_semaphore, #tpu.memory_space<semaphore_mem>>)
          %dma_start3A_117 = arith.constant 0 : i32
          %dma_start3A_118 = arith.constant 0 : i32
          %dma_start3A_119 = tpu.memref_slice %arg3[%dma_start3A_117, %dma_start3A_118] : memref<100000x16xf32, #tpu.memory_space<hbm>> -> memref<100000x16xf32, #tpu.memory_space<hbm>>
          tpu.enqueue_indirect_dma source(%dma_start3A_119 : memref<100000x16xf32, #tpu.memory_space<hbm>>) target(%arg20 : memref<400x16xf32, #tpu.memory_space<vmem>>) offsets(%arg16 : memref<400xi32, #tpu.memory_space<vmem>>) semaphore(%arg23 : memref<!tpu.dma_semaphore, #tpu.memory_space<semaphore_mem>>)
          %dma_start3A_120 = arith.constant 0 : i32
          %dma_start3A_121 = arith.constant 0 : i32
          %dma_start3A_122 = tpu.memref_slice %arg3[%dma_start3A_120, %dma_start3A_121] : memref<100000x16xf32, #tpu.memory_space<hbm>> -> memref<100000x16xf32, #tpu.memory_space<hbm>>
          tpu.enqueue_indirect_dma source(%dma_start3A_122 : memref<100000x16xf32, #tpu.memory_space<hbm>>) target(%arg21 : memref<400x16xf32, #tpu.memory_space<vmem>>) offsets(%arg17 : memref<400xi32, #tpu.memory_space<vmem>>) semaphore(%arg23 : memref<!tpu.dma_semaphore, #tpu.memory_space<semaphore_mem>>)
        } else {
        }
        %jit3A_83 = arith.constant 2 : i32
        %eq3A_84 = arith.constant 0 : i32
        %eq3A_85 = arith.cmpi eq, %jit3A_83, %eq3A_84 : i32
        %jit3A_86 = arith.constant 1 : i32
        %select_n3A_87 = arith.select %eq3A_85, %jit3A_86, %jit3A_83 : i32
        %rem3A_88 = arith.remsi %scan3A_21, %select_n3A_87 : i32
        %ne3A_89 = arith.constant 0 : i32
        %ne3A_90 = arith.cmpi ne, %rem3A_88, %ne3A_89 : i32
        %lt3A_91 = arith.constant 0 : i32
        %lt3A_92 = arith.cmpi slt, %rem3A_88, %lt3A_91 : i32
        %lt3A_93 = arith.constant 0 : i32
        %lt3A_94 = arith.cmpi slt, %select_n3A_87, %lt3A_93 : i32
        %ne3A_95 = arith.xori %lt3A_92, %lt3A_94 : i1
        %and3A_96 = arith.andi %ne3A_95, %ne3A_90 : i1
        %add3A_97 = arith.addi %rem3A_88, %select_n3A_87 : i32
        %select_n3A_98 = arith.select %and3A_96, %add3A_97, %rem3A_88 : i32
        %eq3A_99 = arith.constant 1 : i32
        %eq3A_100 = arith.cmpi eq, %select_n3A_98, %eq3A_99 : i32
        %convert_element_type3A_101 = arith.extui %eq3A_100 : i1 to i32
        %cond3A_102 = arith.constant 0 : i32
        %cond3A_103 = arith.cmpi ne, %convert_element_type3A_101, %cond3A_102 : i32
        scf.if %cond3A_103 {
          %add3A_104 = arith.constant 1 : i32
          %add3A_105 = arith.addi %scan3A_21, %add3A_104 : i32
          %mul3A_106 = arith.constant 50000 : i32
          %mul3A_107 = arith.muli %add3A, %mul3A_106 : i32
          %mul3A_108 = arith.constant 400 : i32
          %mul3A_109 = arith.muli %add3A_105, %mul3A_108 : i32
          %add3A_110 = arith.addi %mul3A_107, %mul3A_109 : i32
          "tpu.region"() ({
            %run_scoped3A = tpu.sem_alloc : memref<!tpu.dma_semaphore, #tpu.memory_space<semaphore_mem>>
            %dma_start3A_123 = tpu.memref_slice %arg4[%add3A_110] : memref<1600000xi32, #tpu.memory_space<hbm>> -> memref<400xi32, #tpu.memory_space<hbm>>
            %dma_start3A_124 = tpu.memref_slice %arg4[%add3A_110] : memref<1600000xi32, #tpu.memory_space<hbm>> -> memref<400xi32, #tpu.memory_space<hbm>>
            tpu.enqueue_dma source(%dma_start3A_124 : memref<400xi32, #tpu.memory_space<hbm>>) target(%arg10 : memref<400xi32, #tpu.memory_space<vmem>>) target_semaphore(%run_scoped3A : memref<!tpu.dma_semaphore, #tpu.memory_space<semaphore_mem>>)
            %dma_wait3A = tpu.memref_slice %arg4[%add3A_110] : memref<1600000xi32, #tpu.memory_space<hbm>> -> memref<400xi32, #tpu.memory_space<hbm>>
            %dma_wait3A_125 = tpu.memref_slice %arg4[%add3A_110] : memref<1600000xi32, #tpu.memory_space<hbm>> -> memref<400xi32, #tpu.memory_space<hbm>>
            tpu.wait_dma2 semaphore(%run_scoped3A : memref<!tpu.dma_semaphore, #tpu.memory_space<semaphore_mem>>) src(%dma_wait3A_125 : memref<400xi32, #tpu.memory_space<hbm>>) dst(%arg10 : memref<400xi32, #tpu.memory_space<vmem>>)
            tpu.yield
          }) : () -> ()
          "tpu.region"() ({
            %run_scoped3A = tpu.sem_alloc : memref<!tpu.dma_semaphore, #tpu.memory_space<semaphore_mem>>
            %dma_start3A_123 = tpu.memref_slice %arg5[%add3A_110] : memref<1600000xi32, #tpu.memory_space<hbm>> -> memref<400xi32, #tpu.memory_space<hbm>>
            %dma_start3A_124 = tpu.memref_slice %arg5[%add3A_110] : memref<1600000xi32, #tpu.memory_space<hbm>> -> memref<400xi32, #tpu.memory_space<hbm>>
            tpu.enqueue_dma source(%dma_start3A_124 : memref<400xi32, #tpu.memory_space<hbm>>) target(%arg11 : memref<400xi32, #tpu.memory_space<vmem>>) target_semaphore(%run_scoped3A : memref<!tpu.dma_semaphore, #tpu.memory_space<semaphore_mem>>)
            %dma_wait3A = tpu.memref_slice %arg5[%add3A_110] : memref<1600000xi32, #tpu.memory_space<hbm>> -> memref<400xi32, #tpu.memory_space<hbm>>
            %dma_wait3A_125 = tpu.memref_slice %arg5[%add3A_110] : memref<1600000xi32, #tpu.memory_space<hbm>> -> memref<400xi32, #tpu.memory_space<hbm>>
            tpu.wait_dma2 semaphore(%run_scoped3A : memref<!tpu.dma_semaphore, #tpu.memory_space<semaphore_mem>>) src(%dma_wait3A_125 : memref<400xi32, #tpu.memory_space<hbm>>) dst(%arg11 : memref<400xi32, #tpu.memory_space<vmem>>)
            tpu.yield
          }) : () -> ()
          %dma_start3A_111 = arith.constant 0 : i32
          %dma_start3A_112 = arith.constant 0 : i32
          %dma_start3A_113 = tpu.memref_slice %arg2[%dma_start3A_111, %dma_start3A_112] : memref<100000x16xf32, #tpu.memory_space<hbm>> -> memref<100000x16xf32, #tpu.memory_space<hbm>>
          tpu.enqueue_indirect_dma source(%dma_start3A_113 : memref<100000x16xf32, #tpu.memory_space<hbm>>) target(%arg12 : memref<400x16xf32, #tpu.memory_space<vmem>>) offsets(%arg10 : memref<400xi32, #tpu.memory_space<vmem>>) semaphore(%arg22 : memref<!tpu.dma_semaphore, #tpu.memory_space<semaphore_mem>>)
          %dma_start3A_114 = arith.constant 0 : i32
          %dma_start3A_115 = arith.constant 0 : i32
          %dma_start3A_116 = tpu.memref_slice %arg2[%dma_start3A_114, %dma_start3A_115] : memref<100000x16xf32, #tpu.memory_space<hbm>> -> memref<100000x16xf32, #tpu.memory_space<hbm>>
          tpu.enqueue_indirect_dma source(%dma_start3A_116 : memref<100000x16xf32, #tpu.memory_space<hbm>>) target(%arg13 : memref<400x16xf32, #tpu.memory_space<vmem>>) offsets(%arg11 : memref<400xi32, #tpu.memory_space<vmem>>) semaphore(%arg22 : memref<!tpu.dma_semaphore, #tpu.memory_space<semaphore_mem>>)
          %dma_start3A_117 = arith.constant 0 : i32
          %dma_start3A_118 = arith.constant 0 : i32
          %dma_start3A_119 = tpu.memref_slice %arg3[%dma_start3A_117, %dma_start3A_118] : memref<100000x16xf32, #tpu.memory_space<hbm>> -> memref<100000x16xf32, #tpu.memory_space<hbm>>
          tpu.enqueue_indirect_dma source(%dma_start3A_119 : memref<100000x16xf32, #tpu.memory_space<hbm>>) target(%arg14 : memref<400x16xf32, #tpu.memory_space<vmem>>) offsets(%arg10 : memref<400xi32, #tpu.memory_space<vmem>>) semaphore(%arg22 : memref<!tpu.dma_semaphore, #tpu.memory_space<semaphore_mem>>)
          %dma_start3A_120 = arith.constant 0 : i32
          %dma_start3A_121 = arith.constant 0 : i32
          %dma_start3A_122 = tpu.memref_slice %arg3[%dma_start3A_120, %dma_start3A_121] : memref<100000x16xf32, #tpu.memory_space<hbm>> -> memref<100000x16xf32, #tpu.memory_space<hbm>>
          tpu.enqueue_indirect_dma source(%dma_start3A_122 : memref<100000x16xf32, #tpu.memory_space<hbm>>) target(%arg15 : memref<400x16xf32, #tpu.memory_space<vmem>>) offsets(%arg11 : memref<400xi32, #tpu.memory_space<vmem>>) semaphore(%arg22 : memref<!tpu.dma_semaphore, #tpu.memory_space<semaphore_mem>>)
        } else {
        }
      } else {
      }
      %jit3A = arith.constant 2 : i32
      %eq3A = arith.constant 0 : i32
      %eq3A_26 = arith.cmpi eq, %jit3A, %eq3A : i32
      %jit3A_27 = arith.constant 1 : i32
      %select_n3A = arith.select %eq3A_26, %jit3A_27, %jit3A : i32
      %rem3A = arith.remsi %scan3A_21, %select_n3A : i32
      %ne3A = arith.constant 0 : i32
      %ne3A_28 = arith.cmpi ne, %rem3A, %ne3A : i32
      %lt3A_29 = arith.constant 0 : i32
      %lt3A_30 = arith.cmpi slt, %rem3A, %lt3A_29 : i32
      %lt3A_31 = arith.constant 0 : i32
      %lt3A_32 = arith.cmpi slt, %select_n3A, %lt3A_31 : i32
      %ne3A_33 = arith.xori %lt3A_30, %lt3A_32 : i1
      %and3A = arith.andi %ne3A_33, %ne3A_28 : i1
      %add3A_34 = arith.addi %rem3A, %select_n3A : i32
      %select_n3A_35 = arith.select %and3A, %add3A_34, %rem3A : i32
      %eq3A_36 = arith.constant 0 : i32
      %eq3A_37 = arith.cmpi eq, %select_n3A_35, %eq3A_36 : i32
      %convert_element_type3A_38 = arith.extui %eq3A_37 : i1 to i32
      %cond3A_39 = arith.constant 0 : i32
      %cond3A_40 = arith.cmpi ne, %convert_element_type3A_38, %cond3A_39 : i32
      scf.if %cond3A_40 {
        %mul3A_62 = arith.constant 50000 : i32
        %mul3A_63 = arith.muli %add3A, %mul3A_62 : i32
        %mul3A_64 = arith.constant 400 : i32
        %mul3A_65 = arith.muli %scan3A_21, %mul3A_64 : i32
        %add3A_66 = arith.addi %mul3A_63, %mul3A_65 : i32
        %dma_wait3A = arith.constant 0 : i32
        %dma_wait3A_67 = arith.constant 0 : i32
        %dma_wait3A_68 = tpu.memref_slice %arg2[%dma_wait3A, %dma_wait3A_67] : memref<100000x16xf32, #tpu.memory_space<hbm>> -> memref<100000x16xf32, #tpu.memory_space<hbm>>
        tpu.wait_indirect_dma semaphore(%arg22 : memref<!tpu.dma_semaphore, #tpu.memory_space<semaphore_mem>>) src(%dma_wait3A_68 : memref<100000x16xf32, #tpu.memory_space<hbm>>) dst(%arg12 : memref<400x16xf32, #tpu.memory_space<vmem>>)
        %dma_wait3A_69 = arith.constant 0 : i32
        %dma_wait3A_70 = arith.constant 0 : i32
        %dma_wait3A_71 = tpu.memref_slice %arg2[%dma_wait3A_69, %dma_wait3A_70] : memref<100000x16xf32, #tpu.memory_space<hbm>> -> memref<100000x16xf32, #tpu.memory_space<hbm>>
        tpu.wait_indirect_dma semaphore(%arg22 : memref<!tpu.dma_semaphore, #tpu.memory_space<semaphore_mem>>) src(%dma_wait3A_71 : memref<100000x16xf32, #tpu.memory_space<hbm>>) dst(%arg13 : memref<400x16xf32, #tpu.memory_space<vmem>>)
        %dma_wait3A_72 = arith.constant 0 : i32
        %dma_wait3A_73 = arith.constant 0 : i32
        %dma_wait3A_74 = tpu.memref_slice %arg3[%dma_wait3A_72, %dma_wait3A_73] : memref<100000x16xf32, #tpu.memory_space<hbm>> -> memref<100000x16xf32, #tpu.memory_space<hbm>>
        tpu.wait_indirect_dma semaphore(%arg22 : memref<!tpu.dma_semaphore, #tpu.memory_space<semaphore_mem>>) src(%dma_wait3A_74 : memref<100000x16xf32, #tpu.memory_space<hbm>>) dst(%arg14 : memref<400x16xf32, #tpu.memory_space<vmem>>)
        %dma_wait3A_75 = arith.constant 0 : i32
        %dma_wait3A_76 = arith.constant 0 : i32
        %dma_wait3A_77 = tpu.memref_slice %arg3[%dma_wait3A_75, %dma_wait3A_76] : memref<100000x16xf32, #tpu.memory_space<hbm>> -> memref<100000x16xf32, #tpu.memory_space<hbm>>
        tpu.wait_indirect_dma semaphore(%arg22 : memref<!tpu.dma_semaphore, #tpu.memory_space<semaphore_mem>>) src(%dma_wait3A_77 : memref<100000x16xf32, #tpu.memory_space<hbm>>) dst(%arg15 : memref<400x16xf32, #tpu.memory_space<vmem>>)
        "tpu.region"() ({
          %run_scoped3A = tpu.sem_alloc : memref<!tpu.dma_semaphore, #tpu.memory_space<semaphore_mem>>
          %dma_start3A_78 = arith.constant 0 : i32
          %dma_start3A_79 = tpu.memref_slice %arg6[%add3A_66, %dma_start3A_78] : memref<1600000x16xf32, #tpu.memory_space<hbm>> -> memref<400x16xf32, #tpu.memory_space<hbm>>
          %dma_start3A_80 = arith.constant 0 : i32
          %dma_start3A_81 = tpu.memref_slice %arg6[%add3A_66, %dma_start3A_80] : memref<1600000x16xf32, #tpu.memory_space<hbm>> -> memref<400x16xf32, #tpu.memory_space<hbm>>
          tpu.enqueue_dma source(%arg12 : memref<400x16xf32, #tpu.memory_space<vmem>>) target(%dma_start3A_81 : memref<400x16xf32, #tpu.memory_space<hbm>>) target_semaphore(%run_scoped3A : memref<!tpu.dma_semaphore, #tpu.memory_space<semaphore_mem>>)
          %dma_wait3A_82 = arith.constant 0 : i32
          %dma_wait3A_83 = tpu.memref_slice %arg6[%add3A_66, %dma_wait3A_82] : memref<1600000x16xf32, #tpu.memory_space<hbm>> -> memref<400x16xf32, #tpu.memory_space<hbm>>
          %dma_wait3A_84 = arith.constant 0 : i32
          %dma_wait3A_85 = tpu.memref_slice %arg6[%add3A_66, %dma_wait3A_84] : memref<1600000x16xf32, #tpu.memory_space<hbm>> -> memref<400x16xf32, #tpu.memory_space<hbm>>
          tpu.wait_dma2 semaphore(%run_scoped3A : memref<!tpu.dma_semaphore, #tpu.memory_space<semaphore_mem>>) src(%arg12 : memref<400x16xf32, #tpu.memory_space<vmem>>) dst(%dma_wait3A_85 : memref<400x16xf32, #tpu.memory_space<hbm>>)
          tpu.yield
        }) : () -> ()
        "tpu.region"() ({
          %run_scoped3A = tpu.sem_alloc : memref<!tpu.dma_semaphore, #tpu.memory_space<semaphore_mem>>
          %dma_start3A_78 = arith.constant 0 : i32
          %dma_start3A_79 = tpu.memref_slice %arg7[%add3A_66, %dma_start3A_78] : memref<1600000x16xf32, #tpu.memory_space<hbm>> -> memref<400x16xf32, #tpu.memory_space<hbm>>
          %dma_start3A_80 = arith.constant 0 : i32
          %dma_start3A_81 = tpu.memref_slice %arg7[%add3A_66, %dma_start3A_80] : memref<1600000x16xf32, #tpu.memory_space<hbm>> -> memref<400x16xf32, #tpu.memory_space<hbm>>
          tpu.enqueue_dma source(%arg13 : memref<400x16xf32, #tpu.memory_space<vmem>>) target(%dma_start3A_81 : memref<400x16xf32, #tpu.memory_space<hbm>>) target_semaphore(%run_scoped3A : memref<!tpu.dma_semaphore, #tpu.memory_space<semaphore_mem>>)
          %dma_wait3A_82 = arith.constant 0 : i32
          %dma_wait3A_83 = tpu.memref_slice %arg7[%add3A_66, %dma_wait3A_82] : memref<1600000x16xf32, #tpu.memory_space<hbm>> -> memref<400x16xf32, #tpu.memory_space<hbm>>
          %dma_wait3A_84 = arith.constant 0 : i32
          %dma_wait3A_85 = tpu.memref_slice %arg7[%add3A_66, %dma_wait3A_84] : memref<1600000x16xf32, #tpu.memory_space<hbm>> -> memref<400x16xf32, #tpu.memory_space<hbm>>
          tpu.wait_dma2 semaphore(%run_scoped3A : memref<!tpu.dma_semaphore, #tpu.memory_space<semaphore_mem>>) src(%arg13 : memref<400x16xf32, #tpu.memory_space<vmem>>) dst(%dma_wait3A_85 : memref<400x16xf32, #tpu.memory_space<hbm>>)
          tpu.yield
        }) : () -> ()
        "tpu.region"() ({
          %run_scoped3A = tpu.sem_alloc : memref<!tpu.dma_semaphore, #tpu.memory_space<semaphore_mem>>
          %dma_start3A_78 = arith.constant 0 : i32
          %dma_start3A_79 = tpu.memref_slice %arg8[%add3A_66, %dma_start3A_78] : memref<1600000x16xf32, #tpu.memory_space<hbm>> -> memref<400x16xf32, #tpu.memory_space<hbm>>
          %dma_start3A_80 = arith.constant 0 : i32
          %dma_start3A_81 = tpu.memref_slice %arg8[%add3A_66, %dma_start3A_80] : memref<1600000x16xf32, #tpu.memory_space<hbm>> -> memref<400x16xf32, #tpu.memory_space<hbm>>
          tpu.enqueue_dma source(%arg14 : memref<400x16xf32, #tpu.memory_space<vmem>>) target(%dma_start3A_81 : memref<400x16xf32, #tpu.memory_space<hbm>>) target_semaphore(%run_scoped3A : memref<!tpu.dma_semaphore, #tpu.memory_space<semaphore_mem>>)
          %dma_wait3A_82 = arith.constant 0 : i32
          %dma_wait3A_83 = tpu.memref_slice %arg8[%add3A_66, %dma_wait3A_82] : memref<1600000x16xf32, #tpu.memory_space<hbm>> -> memref<400x16xf32, #tpu.memory_space<hbm>>
          %dma_wait3A_84 = arith.constant 0 : i32
          %dma_wait3A_85 = tpu.memref_slice %arg8[%add3A_66, %dma_wait3A_84] : memref<1600000x16xf32, #tpu.memory_space<hbm>> -> memref<400x16xf32, #tpu.memory_space<hbm>>
          tpu.wait_dma2 semaphore(%run_scoped3A : memref<!tpu.dma_semaphore, #tpu.memory_space<semaphore_mem>>) src(%arg14 : memref<400x16xf32, #tpu.memory_space<vmem>>) dst(%dma_wait3A_85 : memref<400x16xf32, #tpu.memory_space<hbm>>)
          tpu.yield
        }) : () -> ()
        "tpu.region"() ({
          %run_scoped3A = tpu.sem_alloc : memref<!tpu.dma_semaphore, #tpu.memory_space<semaphore_mem>>
          %dma_start3A_78 = arith.constant 0 : i32
          %dma_start3A_79 = tpu.memref_slice %arg9[%add3A_66, %dma_start3A_78] : memref<1600000x16xf32, #tpu.memory_space<hbm>> -> memref<400x16xf32, #tpu.memory_space<hbm>>
          %dma_start3A_80 = arith.constant 0 : i32
          %dma_start3A_81 = tpu.memref_slice %arg9[%add3A_66, %dma_start3A_80] : memref<1600000x16xf32, #tpu.memory_space<hbm>> -> memref<400x16xf32, #tpu.memory_space<hbm>>
          tpu.enqueue_dma source(%arg15 : memref<400x16xf32, #tpu.memory_space<vmem>>) target(%dma_start3A_81 : memref<400x16xf32, #tpu.memory_space<hbm>>) target_semaphore(%run_scoped3A : memref<!tpu.dma_semaphore, #tpu.memory_space<semaphore_mem>>)
          %dma_wait3A_82 = arith.constant 0 : i32
          %dma_wait3A_83 = tpu.memref_slice %arg9[%add3A_66, %dma_wait3A_82] : memref<1600000x16xf32, #tpu.memory_space<hbm>> -> memref<400x16xf32, #tpu.memory_space<hbm>>
          %dma_wait3A_84 = arith.constant 0 : i32
          %dma_wait3A_85 = tpu.memref_slice %arg9[%add3A_66, %dma_wait3A_84] : memref<1600000x16xf32, #tpu.memory_space<hbm>> -> memref<400x16xf32, #tpu.memory_space<hbm>>
          tpu.wait_dma2 semaphore(%run_scoped3A : memref<!tpu.dma_semaphore, #tpu.memory_space<semaphore_mem>>) src(%arg15 : memref<400x16xf32, #tpu.memory_space<vmem>>) dst(%dma_wait3A_85 : memref<400x16xf32, #tpu.memory_space<hbm>>)
          tpu.yield
        }) : () -> ()
      } else {
      }
      %jit3A_41 = arith.constant 2 : i32
      %eq3A_42 = arith.constant 0 : i32
      %eq3A_43 = arith.cmpi eq, %jit3A_41, %eq3A_42 : i32
      %jit3A_44 = arith.constant 1 : i32
      %select_n3A_45 = arith.select %eq3A_43, %jit3A_44, %jit3A_41 : i32
      %rem3A_46 = arith.remsi %scan3A_21, %select_n3A_45 : i32
      %ne3A_47 = arith.constant 0 : i32
      %ne3A_48 = arith.cmpi ne, %rem3A_46, %ne3A_47 : i32
      %lt3A_49 = arith.constant 0 : i32
      %lt3A_50 = arith.cmpi slt, %rem3A_46, %lt3A_49 : i32
      %lt3A_51 = arith.constant 0 : i32
      %lt3A_52 = arith.cmpi slt, %select_n3A_45, %lt3A_51 : i32
      %ne3A_53 = arith.xori %lt3A_50, %lt3A_52 : i1
      %and3A_54 = arith.andi %ne3A_53, %ne3A_48 : i1
      %add3A_55 = arith.addi %rem3A_46, %select_n3A_45 : i32
      %select_n3A_56 = arith.select %and3A_54, %add3A_55, %rem3A_46 : i32
      %eq3A_57 = arith.constant 1 : i32
      %eq3A_58 = arith.cmpi eq, %select_n3A_56, %eq3A_57 : i32
      %convert_element_type3A_59 = arith.extui %eq3A_58 : i1 to i32
      %cond3A_60 = arith.constant 0 : i32
      %cond3A_61 = arith.cmpi ne, %convert_element_type3A_59, %cond3A_60 : i32
      scf.if %cond3A_61 {
        %mul3A_62 = arith.constant 50000 : i32
        %mul3A_63 = arith.muli %add3A, %mul3A_62 : i32
        %mul3A_64 = arith.constant 400 : i32
        %mul3A_65 = arith.muli %scan3A_21, %mul3A_64 : i32
        %add3A_66 = arith.addi %mul3A_63, %mul3A_65 : i32
        %dma_wait3A = arith.constant 0 : i32
        %dma_wait3A_67 = arith.constant 0 : i32
        %dma_wait3A_68 = tpu.memref_slice %arg2[%dma_wait3A, %dma_wait3A_67] : memref<100000x16xf32, #tpu.memory_space<hbm>> -> memref<100000x16xf32, #tpu.memory_space<hbm>>
        tpu.wait_indirect_dma semaphore(%arg23 : memref<!tpu.dma_semaphore, #tpu.memory_space<semaphore_mem>>) src(%dma_wait3A_68 : memref<100000x16xf32, #tpu.memory_space<hbm>>) dst(%arg18 : memref<400x16xf32, #tpu.memory_space<vmem>>)
        %dma_wait3A_69 = arith.constant 0 : i32
        %dma_wait3A_70 = arith.constant 0 : i32
        %dma_wait3A_71 = tpu.memref_slice %arg2[%dma_wait3A_69, %dma_wait3A_70] : memref<100000x16xf32, #tpu.memory_space<hbm>> -> memref<100000x16xf32, #tpu.memory_space<hbm>>
        tpu.wait_indirect_dma semaphore(%arg23 : memref<!tpu.dma_semaphore, #tpu.memory_space<semaphore_mem>>) src(%dma_wait3A_71 : memref<100000x16xf32, #tpu.memory_space<hbm>>) dst(%arg19 : memref<400x16xf32, #tpu.memory_space<vmem>>)
        %dma_wait3A_72 = arith.constant 0 : i32
        %dma_wait3A_73 = arith.constant 0 : i32
        %dma_wait3A_74 = tpu.memref_slice %arg3[%dma_wait3A_72, %dma_wait3A_73] : memref<100000x16xf32, #tpu.memory_space<hbm>> -> memref<100000x16xf32, #tpu.memory_space<hbm>>
        tpu.wait_indirect_dma semaphore(%arg23 : memref<!tpu.dma_semaphore, #tpu.memory_space<semaphore_mem>>) src(%dma_wait3A_74 : memref<100000x16xf32, #tpu.memory_space<hbm>>) dst(%arg20 : memref<400x16xf32, #tpu.memory_space<vmem>>)
        %dma_wait3A_75 = arith.constant 0 : i32
        %dma_wait3A_76 = arith.constant 0 : i32
        %dma_wait3A_77 = tpu.memref_slice %arg3[%dma_wait3A_75, %dma_wait3A_76] : memref<100000x16xf32, #tpu.memory_space<hbm>> -> memref<100000x16xf32, #tpu.memory_space<hbm>>
        tpu.wait_indirect_dma semaphore(%arg23 : memref<!tpu.dma_semaphore, #tpu.memory_space<semaphore_mem>>) src(%dma_wait3A_77 : memref<100000x16xf32, #tpu.memory_space<hbm>>) dst(%arg21 : memref<400x16xf32, #tpu.memory_space<vmem>>)
        "tpu.region"() ({
          %run_scoped3A = tpu.sem_alloc : memref<!tpu.dma_semaphore, #tpu.memory_space<semaphore_mem>>
          %dma_start3A_78 = arith.constant 0 : i32
          %dma_start3A_79 = tpu.memref_slice %arg6[%add3A_66, %dma_start3A_78] : memref<1600000x16xf32, #tpu.memory_space<hbm>> -> memref<400x16xf32, #tpu.memory_space<hbm>>
          %dma_start3A_80 = arith.constant 0 : i32
          %dma_start3A_81 = tpu.memref_slice %arg6[%add3A_66, %dma_start3A_80] : memref<1600000x16xf32, #tpu.memory_space<hbm>> -> memref<400x16xf32, #tpu.memory_space<hbm>>
          tpu.enqueue_dma source(%arg18 : memref<400x16xf32, #tpu.memory_space<vmem>>) target(%dma_start3A_81 : memref<400x16xf32, #tpu.memory_space<hbm>>) target_semaphore(%run_scoped3A : memref<!tpu.dma_semaphore, #tpu.memory_space<semaphore_mem>>)
          %dma_wait3A_82 = arith.constant 0 : i32
          %dma_wait3A_83 = tpu.memref_slice %arg6[%add3A_66, %dma_wait3A_82] : memref<1600000x16xf32, #tpu.memory_space<hbm>> -> memref<400x16xf32, #tpu.memory_space<hbm>>
          %dma_wait3A_84 = arith.constant 0 : i32
          %dma_wait3A_85 = tpu.memref_slice %arg6[%add3A_66, %dma_wait3A_84] : memref<1600000x16xf32, #tpu.memory_space<hbm>> -> memref<400x16xf32, #tpu.memory_space<hbm>>
          tpu.wait_dma2 semaphore(%run_scoped3A : memref<!tpu.dma_semaphore, #tpu.memory_space<semaphore_mem>>) src(%arg18 : memref<400x16xf32, #tpu.memory_space<vmem>>) dst(%dma_wait3A_85 : memref<400x16xf32, #tpu.memory_space<hbm>>)
          tpu.yield
        }) : () -> ()
        "tpu.region"() ({
          %run_scoped3A = tpu.sem_alloc : memref<!tpu.dma_semaphore, #tpu.memory_space<semaphore_mem>>
          %dma_start3A_78 = arith.constant 0 : i32
          %dma_start3A_79 = tpu.memref_slice %arg7[%add3A_66, %dma_start3A_78] : memref<1600000x16xf32, #tpu.memory_space<hbm>> -> memref<400x16xf32, #tpu.memory_space<hbm>>
          %dma_start3A_80 = arith.constant 0 : i32
          %dma_start3A_81 = tpu.memref_slice %arg7[%add3A_66, %dma_start3A_80] : memref<1600000x16xf32, #tpu.memory_space<hbm>> -> memref<400x16xf32, #tpu.memory_space<hbm>>
          tpu.enqueue_dma source(%arg19 : memref<400x16xf32, #tpu.memory_space<vmem>>) target(%dma_start3A_81 : memref<400x16xf32, #tpu.memory_space<hbm>>) target_semaphore(%run_scoped3A : memref<!tpu.dma_semaphore, #tpu.memory_space<semaphore_mem>>)
          %dma_wait3A_82 = arith.constant 0 : i32
          %dma_wait3A_83 = tpu.memref_slice %arg7[%add3A_66, %dma_wait3A_82] : memref<1600000x16xf32, #tpu.memory_space<hbm>> -> memref<400x16xf32, #tpu.memory_space<hbm>>
          %dma_wait3A_84 = arith.constant 0 : i32
          %dma_wait3A_85 = tpu.memref_slice %arg7[%add3A_66, %dma_wait3A_84] : memref<1600000x16xf32, #tpu.memory_space<hbm>> -> memref<400x16xf32, #tpu.memory_space<hbm>>
          tpu.wait_dma2 semaphore(%run_scoped3A : memref<!tpu.dma_semaphore, #tpu.memory_space<semaphore_mem>>) src(%arg19 : memref<400x16xf32, #tpu.memory_space<vmem>>) dst(%dma_wait3A_85 : memref<400x16xf32, #tpu.memory_space<hbm>>)
          tpu.yield
        }) : () -> ()
        "tpu.region"() ({
          %run_scoped3A = tpu.sem_alloc : memref<!tpu.dma_semaphore, #tpu.memory_space<semaphore_mem>>
          %dma_start3A_78 = arith.constant 0 : i32
          %dma_start3A_79 = tpu.memref_slice %arg8[%add3A_66, %dma_start3A_78] : memref<1600000x16xf32, #tpu.memory_space<hbm>> -> memref<400x16xf32, #tpu.memory_space<hbm>>
          %dma_start3A_80 = arith.constant 0 : i32
          %dma_start3A_81 = tpu.memref_slice %arg8[%add3A_66, %dma_start3A_80] : memref<1600000x16xf32, #tpu.memory_space<hbm>> -> memref<400x16xf32, #tpu.memory_space<hbm>>
          tpu.enqueue_dma source(%arg20 : memref<400x16xf32, #tpu.memory_space<vmem>>) target(%dma_start3A_81 : memref<400x16xf32, #tpu.memory_space<hbm>>) target_semaphore(%run_scoped3A : memref<!tpu.dma_semaphore, #tpu.memory_space<semaphore_mem>>)
          %dma_wait3A_82 = arith.constant 0 : i32
          %dma_wait3A_83 = tpu.memref_slice %arg8[%add3A_66, %dma_wait3A_82] : memref<1600000x16xf32, #tpu.memory_space<hbm>> -> memref<400x16xf32, #tpu.memory_space<hbm>>
          %dma_wait3A_84 = arith.constant 0 : i32
          %dma_wait3A_85 = tpu.memref_slice %arg8[%add3A_66, %dma_wait3A_84] : memref<1600000x16xf32, #tpu.memory_space<hbm>> -> memref<400x16xf32, #tpu.memory_space<hbm>>
          tpu.wait_dma2 semaphore(%run_scoped3A : memref<!tpu.dma_semaphore, #tpu.memory_space<semaphore_mem>>) src(%arg20 : memref<400x16xf32, #tpu.memory_space<vmem>>) dst(%dma_wait3A_85 : memref<400x16xf32, #tpu.memory_space<hbm>>)
          tpu.yield
        }) : () -> ()
        "tpu.region"() ({
          %run_scoped3A = tpu.sem_alloc : memref<!tpu.dma_semaphore, #tpu.memory_space<semaphore_mem>>
          %dma_start3A_78 = arith.constant 0 : i32
          %dma_start3A_79 = tpu.memref_slice %arg9[%add3A_66, %dma_start3A_78] : memref<1600000x16xf32, #tpu.memory_space<hbm>> -> memref<400x16xf32, #tpu.memory_space<hbm>>
          %dma_start3A_80 = arith.constant 0 : i32
          %dma_start3A_81 = tpu.memref_slice %arg9[%add3A_66, %dma_start3A_80] : memref<1600000x16xf32, #tpu.memory_space<hbm>> -> memref<400x16xf32, #tpu.memory_space<hbm>>
          tpu.enqueue_dma source(%arg21 : memref<400x16xf32, #tpu.memory_space<vmem>>) target(%dma_start3A_81 : memref<400x16xf32, #tpu.memory_space<hbm>>) target_semaphore(%run_scoped3A : memref<!tpu.dma_semaphore, #tpu.memory_space<semaphore_mem>>)
          %dma_wait3A_82 = arith.constant 0 : i32
          %dma_wait3A_83 = tpu.memref_slice %arg9[%add3A_66, %dma_wait3A_82] : memref<1600000x16xf32, #tpu.memory_space<hbm>> -> memref<400x16xf32, #tpu.memory_space<hbm>>
          %dma_wait3A_84 = arith.constant 0 : i32
          %dma_wait3A_85 = tpu.memref_slice %arg9[%add3A_66, %dma_wait3A_84] : memref<1600000x16xf32, #tpu.memory_space<hbm>> -> memref<400x16xf32, #tpu.memory_space<hbm>>
          tpu.wait_dma2 semaphore(%run_scoped3A : memref<!tpu.dma_semaphore, #tpu.memory_space<semaphore_mem>>) src(%arg21 : memref<400x16xf32, #tpu.memory_space<vmem>>) dst(%dma_wait3A_85 : memref<400x16xf32, #tpu.memory_space<hbm>>)
          tpu.yield
        }) : () -> ()
      } else {
      }
    }
    %scan3A_20 = arith.constant 125 : i32
    return
  }
}

#map = affine_map<(d0, d1) -> (0)>
#map1 = affine_map<(d0, d1) -> (0, 0)>
module attributes {stable_mosaic.version = 14 : i64} {
  func.func @_a2_body(%arg0: i32, %arg1: i32, %arg2: memref<1600000xi32, #tpu.memory_space<hbm>>, %arg3: memref<1600000xi32, #tpu.memory_space<hbm>>, %arg4: memref<1600000x16xf32, #tpu.memory_space<hbm>>, %arg5: memref<100000x16xf32, #tpu.memory_space<hbm>>, %arg6: memref<100000x16xf32, #tpu.memory_space<hbm>>, %arg7: memref<100000x16xf32, #tpu.memory_space<hbm>>, %arg8: memref<1000xi32, #tpu.memory_space<vmem>>, %arg9: memref<1000xi32, #tpu.memory_space<vmem>>, %arg10: memref<1000x16xf32, #tpu.memory_space<vmem>>, %arg11: memref<100000x16xf32, #tpu.memory_space<vmem_shared>>) attributes {dimension_semantics = [#tpu.dimension_semantics<core_parallel>, #tpu.dimension_semantics<subcore_parallel>], iteration_bounds = array<i64: 2, 16>, scalar_prefetch = 0 : i64, scratch_operands = 4 : i64, tpu.core_type = #tpu.core_type<sc_vector_subcore>, window_params = [{transform_indices = #map}, {transform_indices = #map}, {transform_indices = #map1}, {transform_indices = #map1}, {transform_indices = #map1}, {transform_indices = #map1}]} {
    %mul3A = arith.constant 6250 : i32
    %mul3A_0 = arith.muli %arg1, %mul3A : i32
    %mul3A_1 = arith.constant 6250 : i32
    %mul3A_2 = arith.muli %arg1, %mul3A_1 : i32
    "tpu.region"() ({
      %run_scoped3A = tpu.sem_alloc : memref<!tpu.dma_semaphore, #tpu.memory_space<semaphore_mem>>
      %dma_start3A = arith.constant 0 : i32
      %dma_start3A_20 = tpu.memref_slice %arg11[%mul3A_2, %dma_start3A] : memref<100000x16xf32, #tpu.memory_space<vmem_shared>> -> memref<6250x16xf32, #tpu.memory_space<vmem_shared>>
      %dma_start3A_21 = arith.constant 0 : i32
      %dma_start3A_22 = tpu.memref_slice %arg5[%mul3A_0, %dma_start3A_21] : memref<100000x16xf32, #tpu.memory_space<hbm>> -> memref<6250x16xf32, #tpu.memory_space<hbm>>
      tpu.enqueue_dma source(%dma_start3A_22 : memref<6250x16xf32, #tpu.memory_space<hbm>>) target(%dma_start3A_20 : memref<6250x16xf32, #tpu.memory_space<vmem_shared>>) target_semaphore(%run_scoped3A : memref<!tpu.dma_semaphore, #tpu.memory_space<semaphore_mem>>)
      %dma_wait3A = arith.constant 0 : i32
      %dma_wait3A_23 = tpu.memref_slice %arg11[%mul3A_2, %dma_wait3A] : memref<100000x16xf32, #tpu.memory_space<vmem_shared>> -> memref<6250x16xf32, #tpu.memory_space<vmem_shared>>
      %dma_wait3A_24 = arith.constant 0 : i32
      %dma_wait3A_25 = tpu.memref_slice %arg5[%mul3A_0, %dma_wait3A_24] : memref<100000x16xf32, #tpu.memory_space<hbm>> -> memref<6250x16xf32, #tpu.memory_space<hbm>>
      tpu.wait_dma2 semaphore(%run_scoped3A : memref<!tpu.dma_semaphore, #tpu.memory_space<semaphore_mem>>) src(%dma_wait3A_25 : memref<6250x16xf32, #tpu.memory_space<hbm>>) dst(%dma_wait3A_23 : memref<6250x16xf32, #tpu.memory_space<vmem_shared>>)
      tpu.yield
    }) : () -> ()
    %barrier3A = arith.constant 0 : index
    tpu.barrier barrier_id(%barrier3A)
    %mul3A_3 = arith.constant 800000 : i32
    %mul3A_4 = arith.muli %arg0, %mul3A_3 : i32
    %mul3A_5 = arith.constant 50000 : i32
    %mul3A_6 = arith.muli %arg1, %mul3A_5 : i32
    %add3A = arith.addi %mul3A_4, %mul3A_6 : i32
    %scan3A = arith.constant 0 : i32
    %scan3A_7 = arith.constant 0 : i32
    %scan3A_8 = arith.constant 50 : i32
    %scan3A_9 = arith.addi %scan3A_7, %scan3A_8 : i32
    %scan3A_10 = arith.constant 1 : i32
    scf.for %scan3A_20 = %scan3A_7 to %scan3A_9 step %scan3A_10  : i32 {
      %mul3A_21 = arith.constant 1000 : i32
      %mul3A_22 = arith.muli %scan3A_20, %mul3A_21 : i32
      %add3A_23 = arith.addi %add3A, %mul3A_22 : i32
      "tpu.region"() ({
        %run_scoped3A = tpu.sem_alloc : memref<!tpu.dma_semaphore, #tpu.memory_space<semaphore_mem>>
        %dma_start3A = tpu.memref_slice %arg2[%add3A_23] : memref<1600000xi32, #tpu.memory_space<hbm>> -> memref<1000xi32, #tpu.memory_space<hbm>>
        %dma_start3A_24 = tpu.memref_slice %arg2[%add3A_23] : memref<1600000xi32, #tpu.memory_space<hbm>> -> memref<1000xi32, #tpu.memory_space<hbm>>
        tpu.enqueue_dma source(%dma_start3A_24 : memref<1000xi32, #tpu.memory_space<hbm>>) target(%arg8 : memref<1000xi32, #tpu.memory_space<vmem>>) target_semaphore(%run_scoped3A : memref<!tpu.dma_semaphore, #tpu.memory_space<semaphore_mem>>)
        %dma_wait3A = tpu.memref_slice %arg2[%add3A_23] : memref<1600000xi32, #tpu.memory_space<hbm>> -> memref<1000xi32, #tpu.memory_space<hbm>>
        %dma_wait3A_25 = tpu.memref_slice %arg2[%add3A_23] : memref<1600000xi32, #tpu.memory_space<hbm>> -> memref<1000xi32, #tpu.memory_space<hbm>>
        tpu.wait_dma2 semaphore(%run_scoped3A : memref<!tpu.dma_semaphore, #tpu.memory_space<semaphore_mem>>) src(%dma_wait3A_25 : memref<1000xi32, #tpu.memory_space<hbm>>) dst(%arg8 : memref<1000xi32, #tpu.memory_space<vmem>>)
        tpu.yield
      }) : () -> ()
      "tpu.region"() ({
        %run_scoped3A = tpu.sem_alloc : memref<!tpu.dma_semaphore, #tpu.memory_space<semaphore_mem>>
        %dma_start3A = tpu.memref_slice %arg3[%add3A_23] : memref<1600000xi32, #tpu.memory_space<hbm>> -> memref<1000xi32, #tpu.memory_space<hbm>>
        %dma_start3A_24 = tpu.memref_slice %arg3[%add3A_23] : memref<1600000xi32, #tpu.memory_space<hbm>> -> memref<1000xi32, #tpu.memory_space<hbm>>
        tpu.enqueue_dma source(%dma_start3A_24 : memref<1000xi32, #tpu.memory_space<hbm>>) target(%arg9 : memref<1000xi32, #tpu.memory_space<vmem>>) target_semaphore(%run_scoped3A : memref<!tpu.dma_semaphore, #tpu.memory_space<semaphore_mem>>)
        %dma_wait3A = tpu.memref_slice %arg3[%add3A_23] : memref<1600000xi32, #tpu.memory_space<hbm>> -> memref<1000xi32, #tpu.memory_space<hbm>>
        %dma_wait3A_25 = tpu.memref_slice %arg3[%add3A_23] : memref<1600000xi32, #tpu.memory_space<hbm>> -> memref<1000xi32, #tpu.memory_space<hbm>>
        tpu.wait_dma2 semaphore(%run_scoped3A : memref<!tpu.dma_semaphore, #tpu.memory_space<semaphore_mem>>) src(%dma_wait3A_25 : memref<1000xi32, #tpu.memory_space<hbm>>) dst(%arg9 : memref<1000xi32, #tpu.memory_space<vmem>>)
        tpu.yield
      }) : () -> ()
      "tpu.region"() ({
        %run_scoped3A = tpu.sem_alloc : memref<!tpu.dma_semaphore, #tpu.memory_space<semaphore_mem>>
        %dma_start3A = arith.constant 0 : i32
        %dma_start3A_24 = tpu.memref_slice %arg4[%add3A_23, %dma_start3A] : memref<1600000x16xf32, #tpu.memory_space<hbm>> -> memref<1000x16xf32, #tpu.memory_space<hbm>>
        %dma_start3A_25 = arith.constant 0 : i32
        %dma_start3A_26 = tpu.memref_slice %arg4[%add3A_23, %dma_start3A_25] : memref<1600000x16xf32, #tpu.memory_space<hbm>> -> memref<1000x16xf32, #tpu.memory_space<hbm>>
        tpu.enqueue_dma source(%dma_start3A_26 : memref<1000x16xf32, #tpu.memory_space<hbm>>) target(%arg10 : memref<1000x16xf32, #tpu.memory_space<vmem>>) target_semaphore(%run_scoped3A : memref<!tpu.dma_semaphore, #tpu.memory_space<semaphore_mem>>)
        %dma_wait3A = arith.constant 0 : i32
        %dma_wait3A_27 = tpu.memref_slice %arg4[%add3A_23, %dma_wait3A] : memref<1600000x16xf32, #tpu.memory_space<hbm>> -> memref<1000x16xf32, #tpu.memory_space<hbm>>
        %dma_wait3A_28 = arith.constant 0 : i32
        %dma_wait3A_29 = tpu.memref_slice %arg4[%add3A_23, %dma_wait3A_28] : memref<1600000x16xf32, #tpu.memory_space<hbm>> -> memref<1000x16xf32, #tpu.memory_space<hbm>>
        tpu.wait_dma2 semaphore(%run_scoped3A : memref<!tpu.dma_semaphore, #tpu.memory_space<semaphore_mem>>) src(%dma_wait3A_29 : memref<1000x16xf32, #tpu.memory_space<hbm>>) dst(%arg10 : memref<1000x16xf32, #tpu.memory_space<vmem>>)
        tpu.yield
      }) : () -> ()
      "tpu.region"() ({
        %run_scoped3A = tpu.sem_alloc : memref<!tpu.dma_semaphore, #tpu.memory_space<semaphore_mem>>
        %dma_start3A = arith.constant 0 : i32
        %dma_start3A_24 = arith.constant 0 : i32
        %dma_start3A_25 = tpu.memref_slice %arg11[%dma_start3A, %dma_start3A_24] : memref<100000x16xf32, #tpu.memory_space<vmem_shared>> -> memref<100000x16xf32, #tpu.memory_space<vmem_shared>>
        tpu.enqueue_indirect_dma source(%arg10 : memref<1000x16xf32, #tpu.memory_space<vmem>>) target(%dma_start3A_25 : memref<100000x16xf32, #tpu.memory_space<vmem_shared>>) offsets(%arg8 : memref<1000xi32, #tpu.memory_space<vmem>>) semaphore(%run_scoped3A : memref<!tpu.dma_semaphore, #tpu.memory_space<semaphore_mem>>) {add = true}
        %dma_wait3A = arith.constant 0 : i32
        %dma_wait3A_26 = arith.constant 0 : i32
        %dma_wait3A_27 = tpu.memref_slice %arg11[%dma_wait3A, %dma_wait3A_26] : memref<100000x16xf32, #tpu.memory_space<vmem_shared>> -> memref<100000x16xf32, #tpu.memory_space<vmem_shared>>
        tpu.wait_indirect_dma semaphore(%run_scoped3A : memref<!tpu.dma_semaphore, #tpu.memory_space<semaphore_mem>>) src(%arg10 : memref<1000x16xf32, #tpu.memory_space<vmem>>) dst(%dma_wait3A_27 : memref<100000x16xf32, #tpu.memory_space<vmem_shared>>)
        tpu.yield
      }) : () -> ()
      "tpu.region"() ({
        %run_scoped3A = tpu.sem_alloc : memref<!tpu.dma_semaphore, #tpu.memory_space<semaphore_mem>>
        %dma_start3A = arith.constant 0 : i32
        %dma_start3A_24 = arith.constant 0 : i32
        %dma_start3A_25 = tpu.memref_slice %arg11[%dma_start3A, %dma_start3A_24] : memref<100000x16xf32, #tpu.memory_space<vmem_shared>> -> memref<100000x16xf32, #tpu.memory_space<vmem_shared>>
        tpu.enqueue_indirect_dma source(%arg10 : memref<1000x16xf32, #tpu.memory_space<vmem>>) target(%dma_start3A_25 : memref<100000x16xf32, #tpu.memory_space<vmem_shared>>) offsets(%arg9 : memref<1000xi32, #tpu.memory_space<vmem>>) semaphore(%run_scoped3A : memref<!tpu.dma_semaphore, #tpu.memory_space<semaphore_mem>>) {add = true}
        %dma_wait3A = arith.constant 0 : i32
        %dma_wait3A_26 = arith.constant 0 : i32
        %dma_wait3A_27 = tpu.memref_slice %arg11[%dma_wait3A, %dma_wait3A_26] : memref<100000x16xf32, #tpu.memory_space<vmem_shared>> -> memref<100000x16xf32, #tpu.memory_space<vmem_shared>>
        tpu.wait_indirect_dma semaphore(%run_scoped3A : memref<!tpu.dma_semaphore, #tpu.memory_space<semaphore_mem>>) src(%arg10 : memref<1000x16xf32, #tpu.memory_space<vmem>>) dst(%dma_wait3A_27 : memref<100000x16xf32, #tpu.memory_space<vmem_shared>>)
        tpu.yield
      }) : () -> ()
    }
    %scan3A_11 = arith.constant 50 : i32
    %barrier3A_12 = arith.constant 0 : index
    tpu.barrier barrier_id(%barrier3A_12)
    %eq3A = arith.constant 0 : i32
    %eq3A_13 = arith.cmpi eq, %arg0, %eq3A : i32
    %convert_element_type3A = arith.extui %eq3A_13 : i1 to i32
    %cond3A = arith.constant 0 : i32
    %cond3A_14 = arith.cmpi ne, %convert_element_type3A, %cond3A : i32
    scf.if %cond3A_14 {
      %mul3A_20 = arith.constant 6250 : i32
      %mul3A_21 = arith.muli %arg1, %mul3A_20 : i32
      %mul3A_22 = arith.constant 6250 : i32
      %mul3A_23 = arith.muli %arg1, %mul3A_22 : i32
      "tpu.region"() ({
        %run_scoped3A = tpu.sem_alloc : memref<!tpu.dma_semaphore, #tpu.memory_space<semaphore_mem>>
        %dma_start3A = arith.constant 0 : i32
        %dma_start3A_24 = tpu.memref_slice %arg6[%mul3A_23, %dma_start3A] : memref<100000x16xf32, #tpu.memory_space<hbm>> -> memref<6250x16xf32, #tpu.memory_space<hbm>>
        %dma_start3A_25 = arith.constant 0 : i32
        %dma_start3A_26 = tpu.memref_slice %arg11[%mul3A_21, %dma_start3A_25] : memref<100000x16xf32, #tpu.memory_space<vmem_shared>> -> memref<6250x16xf32, #tpu.memory_space<vmem_shared>>
        tpu.enqueue_dma source(%dma_start3A_26 : memref<6250x16xf32, #tpu.memory_space<vmem_shared>>) target(%dma_start3A_24 : memref<6250x16xf32, #tpu.memory_space<hbm>>) target_semaphore(%run_scoped3A : memref<!tpu.dma_semaphore, #tpu.memory_space<semaphore_mem>>)
        %dma_wait3A = arith.constant 0 : i32
        %dma_wait3A_27 = tpu.memref_slice %arg6[%mul3A_23, %dma_wait3A] : memref<100000x16xf32, #tpu.memory_space<hbm>> -> memref<6250x16xf32, #tpu.memory_space<hbm>>
        %dma_wait3A_28 = arith.constant 0 : i32
        %dma_wait3A_29 = tpu.memref_slice %arg11[%mul3A_21, %dma_wait3A_28] : memref<100000x16xf32, #tpu.memory_space<vmem_shared>> -> memref<6250x16xf32, #tpu.memory_space<vmem_shared>>
        tpu.wait_dma2 semaphore(%run_scoped3A : memref<!tpu.dma_semaphore, #tpu.memory_space<semaphore_mem>>) src(%dma_wait3A_29 : memref<6250x16xf32, #tpu.memory_space<vmem_shared>>) dst(%dma_wait3A_27 : memref<6250x16xf32, #tpu.memory_space<hbm>>)
        tpu.yield
      }) : () -> ()
    } else {
    }
    %eq3A_15 = arith.constant 1 : i32
    %eq3A_16 = arith.cmpi eq, %arg0, %eq3A_15 : i32
    %convert_element_type3A_17 = arith.extui %eq3A_16 : i1 to i32
    %cond3A_18 = arith.constant 0 : i32
    %cond3A_19 = arith.cmpi ne, %convert_element_type3A_17, %cond3A_18 : i32
    scf.if %cond3A_19 {
      %mul3A_20 = arith.constant 6250 : i32
      %mul3A_21 = arith.muli %arg1, %mul3A_20 : i32
      %mul3A_22 = arith.constant 6250 : i32
      %mul3A_23 = arith.muli %arg1, %mul3A_22 : i32
      "tpu.region"() ({
        %run_scoped3A = tpu.sem_alloc : memref<!tpu.dma_semaphore, #tpu.memory_space<semaphore_mem>>
        %dma_start3A = arith.constant 0 : i32
        %dma_start3A_24 = tpu.memref_slice %arg7[%mul3A_23, %dma_start3A] : memref<100000x16xf32, #tpu.memory_space<hbm>> -> memref<6250x16xf32, #tpu.memory_space<hbm>>
        %dma_start3A_25 = arith.constant 0 : i32
        %dma_start3A_26 = tpu.memref_slice %arg11[%mul3A_21, %dma_start3A_25] : memref<100000x16xf32, #tpu.memory_space<vmem_shared>> -> memref<6250x16xf32, #tpu.memory_space<vmem_shared>>
        tpu.enqueue_dma source(%dma_start3A_26 : memref<6250x16xf32, #tpu.memory_space<vmem_shared>>) target(%dma_start3A_24 : memref<6250x16xf32, #tpu.memory_space<hbm>>) target_semaphore(%run_scoped3A : memref<!tpu.dma_semaphore, #tpu.memory_space<semaphore_mem>>)
        %dma_wait3A = arith.constant 0 : i32
        %dma_wait3A_27 = tpu.memref_slice %arg7[%mul3A_23, %dma_wait3A] : memref<100000x16xf32, #tpu.memory_space<hbm>> -> memref<6250x16xf32, #tpu.memory_space<hbm>>
        %dma_wait3A_28 = arith.constant 0 : i32
        %dma_wait3A_29 = tpu.memref_slice %arg11[%mul3A_21, %dma_wait3A_28] : memref<100000x16xf32, #tpu.memory_space<vmem_shared>> -> memref<6250x16xf32, #tpu.memory_space<vmem_shared>>
        tpu.wait_dma2 semaphore(%run_scoped3A : memref<!tpu.dma_semaphore, #tpu.memory_space<semaphore_mem>>) src(%dma_wait3A_29 : memref<6250x16xf32, #tpu.memory_space<vmem_shared>>) dst(%dma_wait3A_27 : memref<6250x16xf32, #tpu.memory_space<hbm>>)
        tpu.yield
      }) : () -> ()
    } else {
    }
    return
  }
}

#map = affine_map<(d0, d1) -> (0)>
#map1 = affine_map<(d0, d1) -> (0, 0)>
module attributes {stable_mosaic.version = 14 : i64} {
  func.func @_a1_body(%arg0: i32, %arg1: i32, %arg2: memref<1600000xi32, #tpu.memory_space<hbm>>, %arg3: memref<1600000xi32, #tpu.memory_space<hbm>>, %arg4: memref<1600000x16xf32, #tpu.memory_space<hbm>>, %arg5: memref<1600000x16xf32, #tpu.memory_space<hbm>>, %arg6: memref<100000x16xf32, #tpu.memory_space<hbm>>, %arg7: memref<100000x16xf32, #tpu.memory_space<hbm>>, %arg8: memref<100000x16xf32, #tpu.memory_space<hbm>>, %arg9: memref<1000xi32, #tpu.memory_space<vmem>>, %arg10: memref<1000xi32, #tpu.memory_space<vmem>>, %arg11: memref<1000x16xf32, #tpu.memory_space<vmem>>, %arg12: memref<100000x16xf32, #tpu.memory_space<vmem_shared>>) attributes {dimension_semantics = [#tpu.dimension_semantics<core_parallel>, #tpu.dimension_semantics<subcore_parallel>], iteration_bounds = array<i64: 2, 16>, scalar_prefetch = 0 : i64, scratch_operands = 4 : i64, tpu.core_type = #tpu.core_type<sc_vector_subcore>, window_params = [{transform_indices = #map}, {transform_indices = #map}, {transform_indices = #map1}, {transform_indices = #map1}, {transform_indices = #map1}, {transform_indices = #map1}, {transform_indices = #map1}]} {
    %mul3A = arith.constant 6250 : i32
    %mul3A_0 = arith.muli %arg1, %mul3A : i32
    %mul3A_1 = arith.constant 6250 : i32
    %mul3A_2 = arith.muli %arg1, %mul3A_1 : i32
    "tpu.region"() ({
      %run_scoped3A = tpu.sem_alloc : memref<!tpu.dma_semaphore, #tpu.memory_space<semaphore_mem>>
      %dma_start3A = arith.constant 0 : i32
      %dma_start3A_21 = tpu.memref_slice %arg12[%mul3A_2, %dma_start3A] : memref<100000x16xf32, #tpu.memory_space<vmem_shared>> -> memref<6250x16xf32, #tpu.memory_space<vmem_shared>>
      %dma_start3A_22 = arith.constant 0 : i32
      %dma_start3A_23 = tpu.memref_slice %arg6[%mul3A_0, %dma_start3A_22] : memref<100000x16xf32, #tpu.memory_space<hbm>> -> memref<6250x16xf32, #tpu.memory_space<hbm>>
      tpu.enqueue_dma source(%dma_start3A_23 : memref<6250x16xf32, #tpu.memory_space<hbm>>) target(%dma_start3A_21 : memref<6250x16xf32, #tpu.memory_space<vmem_shared>>) target_semaphore(%run_scoped3A : memref<!tpu.dma_semaphore, #tpu.memory_space<semaphore_mem>>)
      %dma_wait3A = arith.constant 0 : i32
      %dma_wait3A_24 = tpu.memref_slice %arg12[%mul3A_2, %dma_wait3A] : memref<100000x16xf32, #tpu.memory_space<vmem_shared>> -> memref<6250x16xf32, #tpu.memory_space<vmem_shared>>
      %dma_wait3A_25 = arith.constant 0 : i32
      %dma_wait3A_26 = tpu.memref_slice %arg6[%mul3A_0, %dma_wait3A_25] : memref<100000x16xf32, #tpu.memory_space<hbm>> -> memref<6250x16xf32, #tpu.memory_space<hbm>>
      tpu.wait_dma2 semaphore(%run_scoped3A : memref<!tpu.dma_semaphore, #tpu.memory_space<semaphore_mem>>) src(%dma_wait3A_26 : memref<6250x16xf32, #tpu.memory_space<hbm>>) dst(%dma_wait3A_24 : memref<6250x16xf32, #tpu.memory_space<vmem_shared>>)
      tpu.yield
    }) : () -> ()
    %barrier3A = arith.constant 0 : index
    tpu.barrier barrier_id(%barrier3A)
    %eq3A = arith.constant 0 : i32
    %eq3A_3 = arith.cmpi eq, %arg0, %eq3A : i32
    %convert_element_type3A = arith.extui %eq3A_3 : i1 to i32
    %cond3A = arith.constant 0 : i32
    %cond3A_4 = arith.cmpi ne, %convert_element_type3A, %cond3A : i32
    scf.if %cond3A_4 {
      %mul3A_21 = arith.constant 100000 : i32
      %mul3A_22 = arith.muli %arg1, %mul3A_21 : i32
      %scan3A = arith.constant 0 : i32
      %scan3A_23 = arith.constant 0 : i32
      %scan3A_24 = arith.constant 100 : i32
      %scan3A_25 = arith.addi %scan3A_23, %scan3A_24 : i32
      %scan3A_26 = arith.constant 1 : i32
      scf.for %scan3A_28 = %scan3A_23 to %scan3A_25 step %scan3A_26  : i32 {
        %mul3A_29 = arith.constant 1000 : i32
        %mul3A_30 = arith.muli %scan3A_28, %mul3A_29 : i32
        %add3A = arith.addi %mul3A_22, %mul3A_30 : i32
        "tpu.region"() ({
          %run_scoped3A = tpu.sem_alloc : memref<!tpu.dma_semaphore, #tpu.memory_space<semaphore_mem>>
          %dma_start3A = tpu.memref_slice %arg2[%add3A] : memref<1600000xi32, #tpu.memory_space<hbm>> -> memref<1000xi32, #tpu.memory_space<hbm>>
          %dma_start3A_31 = tpu.memref_slice %arg2[%add3A] : memref<1600000xi32, #tpu.memory_space<hbm>> -> memref<1000xi32, #tpu.memory_space<hbm>>
          tpu.enqueue_dma source(%dma_start3A_31 : memref<1000xi32, #tpu.memory_space<hbm>>) target(%arg9 : memref<1000xi32, #tpu.memory_space<vmem>>) target_semaphore(%run_scoped3A : memref<!tpu.dma_semaphore, #tpu.memory_space<semaphore_mem>>)
          %dma_wait3A = tpu.memref_slice %arg2[%add3A] : memref<1600000xi32, #tpu.memory_space<hbm>> -> memref<1000xi32, #tpu.memory_space<hbm>>
          %dma_wait3A_32 = tpu.memref_slice %arg2[%add3A] : memref<1600000xi32, #tpu.memory_space<hbm>> -> memref<1000xi32, #tpu.memory_space<hbm>>
          tpu.wait_dma2 semaphore(%run_scoped3A : memref<!tpu.dma_semaphore, #tpu.memory_space<semaphore_mem>>) src(%dma_wait3A_32 : memref<1000xi32, #tpu.memory_space<hbm>>) dst(%arg9 : memref<1000xi32, #tpu.memory_space<vmem>>)
          tpu.yield
        }) : () -> ()
        "tpu.region"() ({
          %run_scoped3A = tpu.sem_alloc : memref<!tpu.dma_semaphore, #tpu.memory_space<semaphore_mem>>
          %dma_start3A = tpu.memref_slice %arg3[%add3A] : memref<1600000xi32, #tpu.memory_space<hbm>> -> memref<1000xi32, #tpu.memory_space<hbm>>
          %dma_start3A_31 = tpu.memref_slice %arg3[%add3A] : memref<1600000xi32, #tpu.memory_space<hbm>> -> memref<1000xi32, #tpu.memory_space<hbm>>
          tpu.enqueue_dma source(%dma_start3A_31 : memref<1000xi32, #tpu.memory_space<hbm>>) target(%arg10 : memref<1000xi32, #tpu.memory_space<vmem>>) target_semaphore(%run_scoped3A : memref<!tpu.dma_semaphore, #tpu.memory_space<semaphore_mem>>)
          %dma_wait3A = tpu.memref_slice %arg3[%add3A] : memref<1600000xi32, #tpu.memory_space<hbm>> -> memref<1000xi32, #tpu.memory_space<hbm>>
          %dma_wait3A_32 = tpu.memref_slice %arg3[%add3A] : memref<1600000xi32, #tpu.memory_space<hbm>> -> memref<1000xi32, #tpu.memory_space<hbm>>
          tpu.wait_dma2 semaphore(%run_scoped3A : memref<!tpu.dma_semaphore, #tpu.memory_space<semaphore_mem>>) src(%dma_wait3A_32 : memref<1000xi32, #tpu.memory_space<hbm>>) dst(%arg10 : memref<1000xi32, #tpu.memory_space<vmem>>)
          tpu.yield
        }) : () -> ()
        "tpu.region"() ({
          %run_scoped3A = tpu.sem_alloc : memref<!tpu.dma_semaphore, #tpu.memory_space<semaphore_mem>>
          %dma_start3A = arith.constant 0 : i32
          %dma_start3A_31 = tpu.memref_slice %arg4[%add3A, %dma_start3A] : memref<1600000x16xf32, #tpu.memory_space<hbm>> -> memref<1000x16xf32, #tpu.memory_space<hbm>>
          %dma_start3A_32 = arith.constant 0 : i32
          %dma_start3A_33 = tpu.memref_slice %arg4[%add3A, %dma_start3A_32] : memref<1600000x16xf32, #tpu.memory_space<hbm>> -> memref<1000x16xf32, #tpu.memory_space<hbm>>
          tpu.enqueue_dma source(%dma_start3A_33 : memref<1000x16xf32, #tpu.memory_space<hbm>>) target(%arg11 : memref<1000x16xf32, #tpu.memory_space<vmem>>) target_semaphore(%run_scoped3A : memref<!tpu.dma_semaphore, #tpu.memory_space<semaphore_mem>>)
          %dma_wait3A = arith.constant 0 : i32
          %dma_wait3A_34 = tpu.memref_slice %arg4[%add3A, %dma_wait3A] : memref<1600000x16xf32, #tpu.memory_space<hbm>> -> memref<1000x16xf32, #tpu.memory_space<hbm>>
          %dma_wait3A_35 = arith.constant 0 : i32
          %dma_wait3A_36 = tpu.memref_slice %arg4[%add3A, %dma_wait3A_35] : memref<1600000x16xf32, #tpu.memory_space<hbm>> -> memref<1000x16xf32, #tpu.memory_space<hbm>>
          tpu.wait_dma2 semaphore(%run_scoped3A : memref<!tpu.dma_semaphore, #tpu.memory_space<semaphore_mem>>) src(%dma_wait3A_36 : memref<1000x16xf32, #tpu.memory_space<hbm>>) dst(%arg11 : memref<1000x16xf32, #tpu.memory_space<vmem>>)
          tpu.yield
        }) : () -> ()
        "tpu.region"() ({
          %run_scoped3A = tpu.sem_alloc : memref<!tpu.dma_semaphore, #tpu.memory_space<semaphore_mem>>
          %dma_start3A = arith.constant 0 : i32
          %dma_start3A_31 = arith.constant 0 : i32
          %dma_start3A_32 = tpu.memref_slice %arg12[%dma_start3A, %dma_start3A_31] : memref<100000x16xf32, #tpu.memory_space<vmem_shared>> -> memref<100000x16xf32, #tpu.memory_space<vmem_shared>>
          tpu.enqueue_indirect_dma source(%arg11 : memref<1000x16xf32, #tpu.memory_space<vmem>>) target(%dma_start3A_32 : memref<100000x16xf32, #tpu.memory_space<vmem_shared>>) offsets(%arg9 : memref<1000xi32, #tpu.memory_space<vmem>>) semaphore(%run_scoped3A : memref<!tpu.dma_semaphore, #tpu.memory_space<semaphore_mem>>) {add = true}
          %dma_wait3A = arith.constant 0 : i32
          %dma_wait3A_33 = arith.constant 0 : i32
          %dma_wait3A_34 = tpu.memref_slice %arg12[%dma_wait3A, %dma_wait3A_33] : memref<100000x16xf32, #tpu.memory_space<vmem_shared>> -> memref<100000x16xf32, #tpu.memory_space<vmem_shared>>
          tpu.wait_indirect_dma semaphore(%run_scoped3A : memref<!tpu.dma_semaphore, #tpu.memory_space<semaphore_mem>>) src(%arg11 : memref<1000x16xf32, #tpu.memory_space<vmem>>) dst(%dma_wait3A_34 : memref<100000x16xf32, #tpu.memory_space<vmem_shared>>)
          tpu.yield
        }) : () -> ()
        "tpu.region"() ({
          %run_scoped3A = tpu.sem_alloc : memref<!tpu.dma_semaphore, #tpu.memory_space<semaphore_mem>>
          %dma_start3A = arith.constant 0 : i32
          %dma_start3A_31 = arith.constant 0 : i32
          %dma_start3A_32 = tpu.memref_slice %arg12[%dma_start3A, %dma_start3A_31] : memref<100000x16xf32, #tpu.memory_space<vmem_shared>> -> memref<100000x16xf32, #tpu.memory_space<vmem_shared>>
          tpu.enqueue_indirect_dma source(%arg11 : memref<1000x16xf32, #tpu.memory_space<vmem>>) target(%dma_start3A_32 : memref<100000x16xf32, #tpu.memory_space<vmem_shared>>) offsets(%arg10 : memref<1000xi32, #tpu.memory_space<vmem>>) semaphore(%run_scoped3A : memref<!tpu.dma_semaphore, #tpu.memory_space<semaphore_mem>>) {add = true}
          %dma_wait3A = arith.constant 0 : i32
          %dma_wait3A_33 = arith.constant 0 : i32
          %dma_wait3A_34 = tpu.memref_slice %arg12[%dma_wait3A, %dma_wait3A_33] : memref<100000x16xf32, #tpu.memory_space<vmem_shared>> -> memref<100000x16xf32, #tpu.memory_space<vmem_shared>>
          tpu.wait_indirect_dma semaphore(%run_scoped3A : memref<!tpu.dma_semaphore, #tpu.memory_space<semaphore_mem>>) src(%arg11 : memref<1000x16xf32, #tpu.memory_space<vmem>>) dst(%dma_wait3A_34 : memref<100000x16xf32, #tpu.memory_space<vmem_shared>>)
          tpu.yield
        }) : () -> ()
      }
      %scan3A_27 = arith.constant 100 : i32
    } else {
    }
    %eq3A_5 = arith.constant 1 : i32
    %eq3A_6 = arith.cmpi eq, %arg0, %eq3A_5 : i32
    %convert_element_type3A_7 = arith.extui %eq3A_6 : i1 to i32
    %cond3A_8 = arith.constant 0 : i32
    %cond3A_9 = arith.cmpi ne, %convert_element_type3A_7, %cond3A_8 : i32
    scf.if %cond3A_9 {
      %mul3A_21 = arith.constant 100000 : i32
      %mul3A_22 = arith.muli %arg1, %mul3A_21 : i32
      %scan3A = arith.constant 0 : i32
      %scan3A_23 = arith.constant 0 : i32
      %scan3A_24 = arith.constant 100 : i32
      %scan3A_25 = arith.addi %scan3A_23, %scan3A_24 : i32
      %scan3A_26 = arith.constant 1 : i32
      scf.for %scan3A_28 = %scan3A_23 to %scan3A_25 step %scan3A_26  : i32 {
        %mul3A_29 = arith.constant 1000 : i32
        %mul3A_30 = arith.muli %scan3A_28, %mul3A_29 : i32
        %add3A = arith.addi %mul3A_22, %mul3A_30 : i32
        "tpu.region"() ({
          %run_scoped3A = tpu.sem_alloc : memref<!tpu.dma_semaphore, #tpu.memory_space<semaphore_mem>>
          %dma_start3A = tpu.memref_slice %arg2[%add3A] : memref<1600000xi32, #tpu.memory_space<hbm>> -> memref<1000xi32, #tpu.memory_space<hbm>>
          %dma_start3A_31 = tpu.memref_slice %arg2[%add3A] : memref<1600000xi32, #tpu.memory_space<hbm>> -> memref<1000xi32, #tpu.memory_space<hbm>>
          tpu.enqueue_dma source(%dma_start3A_31 : memref<1000xi32, #tpu.memory_space<hbm>>) target(%arg9 : memref<1000xi32, #tpu.memory_space<vmem>>) target_semaphore(%run_scoped3A : memref<!tpu.dma_semaphore, #tpu.memory_space<semaphore_mem>>)
          %dma_wait3A = tpu.memref_slice %arg2[%add3A] : memref<1600000xi32, #tpu.memory_space<hbm>> -> memref<1000xi32, #tpu.memory_space<hbm>>
          %dma_wait3A_32 = tpu.memref_slice %arg2[%add3A] : memref<1600000xi32, #tpu.memory_space<hbm>> -> memref<1000xi32, #tpu.memory_space<hbm>>
          tpu.wait_dma2 semaphore(%run_scoped3A : memref<!tpu.dma_semaphore, #tpu.memory_space<semaphore_mem>>) src(%dma_wait3A_32 : memref<1000xi32, #tpu.memory_space<hbm>>) dst(%arg9 : memref<1000xi32, #tpu.memory_space<vmem>>)
          tpu.yield
        }) : () -> ()
        "tpu.region"() ({
          %run_scoped3A = tpu.sem_alloc : memref<!tpu.dma_semaphore, #tpu.memory_space<semaphore_mem>>
          %dma_start3A = tpu.memref_slice %arg3[%add3A] : memref<1600000xi32, #tpu.memory_space<hbm>> -> memref<1000xi32, #tpu.memory_space<hbm>>
          %dma_start3A_31 = tpu.memref_slice %arg3[%add3A] : memref<1600000xi32, #tpu.memory_space<hbm>> -> memref<1000xi32, #tpu.memory_space<hbm>>
          tpu.enqueue_dma source(%dma_start3A_31 : memref<1000xi32, #tpu.memory_space<hbm>>) target(%arg10 : memref<1000xi32, #tpu.memory_space<vmem>>) target_semaphore(%run_scoped3A : memref<!tpu.dma_semaphore, #tpu.memory_space<semaphore_mem>>)
          %dma_wait3A = tpu.memref_slice %arg3[%add3A] : memref<1600000xi32, #tpu.memory_space<hbm>> -> memref<1000xi32, #tpu.memory_space<hbm>>
          %dma_wait3A_32 = tpu.memref_slice %arg3[%add3A] : memref<1600000xi32, #tpu.memory_space<hbm>> -> memref<1000xi32, #tpu.memory_space<hbm>>
          tpu.wait_dma2 semaphore(%run_scoped3A : memref<!tpu.dma_semaphore, #tpu.memory_space<semaphore_mem>>) src(%dma_wait3A_32 : memref<1000xi32, #tpu.memory_space<hbm>>) dst(%arg10 : memref<1000xi32, #tpu.memory_space<vmem>>)
          tpu.yield
        }) : () -> ()
        "tpu.region"() ({
          %run_scoped3A = tpu.sem_alloc : memref<!tpu.dma_semaphore, #tpu.memory_space<semaphore_mem>>
          %dma_start3A = arith.constant 0 : i32
          %dma_start3A_31 = tpu.memref_slice %arg5[%add3A, %dma_start3A] : memref<1600000x16xf32, #tpu.memory_space<hbm>> -> memref<1000x16xf32, #tpu.memory_space<hbm>>
          %dma_start3A_32 = arith.constant 0 : i32
          %dma_start3A_33 = tpu.memref_slice %arg5[%add3A, %dma_start3A_32] : memref<1600000x16xf32, #tpu.memory_space<hbm>> -> memref<1000x16xf32, #tpu.memory_space<hbm>>
          tpu.enqueue_dma source(%dma_start3A_33 : memref<1000x16xf32, #tpu.memory_space<hbm>>) target(%arg11 : memref<1000x16xf32, #tpu.memory_space<vmem>>) target_semaphore(%run_scoped3A : memref<!tpu.dma_semaphore, #tpu.memory_space<semaphore_mem>>)
          %dma_wait3A = arith.constant 0 : i32
          %dma_wait3A_34 = tpu.memref_slice %arg5[%add3A, %dma_wait3A] : memref<1600000x16xf32, #tpu.memory_space<hbm>> -> memref<1000x16xf32, #tpu.memory_space<hbm>>
          %dma_wait3A_35 = arith.constant 0 : i32
          %dma_wait3A_36 = tpu.memref_slice %arg5[%add3A, %dma_wait3A_35] : memref<1600000x16xf32, #tpu.memory_space<hbm>> -> memref<1000x16xf32, #tpu.memory_space<hbm>>
          tpu.wait_dma2 semaphore(%run_scoped3A : memref<!tpu.dma_semaphore, #tpu.memory_space<semaphore_mem>>) src(%dma_wait3A_36 : memref<1000x16xf32, #tpu.memory_space<hbm>>) dst(%arg11 : memref<1000x16xf32, #tpu.memory_space<vmem>>)
          tpu.yield
        }) : () -> ()
        "tpu.region"() ({
          %run_scoped3A = tpu.sem_alloc : memref<!tpu.dma_semaphore, #tpu.memory_space<semaphore_mem>>
          %dma_start3A = arith.constant 0 : i32
          %dma_start3A_31 = arith.constant 0 : i32
          %dma_start3A_32 = tpu.memref_slice %arg12[%dma_start3A, %dma_start3A_31] : memref<100000x16xf32, #tpu.memory_space<vmem_shared>> -> memref<100000x16xf32, #tpu.memory_space<vmem_shared>>
          tpu.enqueue_indirect_dma source(%arg11 : memref<1000x16xf32, #tpu.memory_space<vmem>>) target(%dma_start3A_32 : memref<100000x16xf32, #tpu.memory_space<vmem_shared>>) offsets(%arg9 : memref<1000xi32, #tpu.memory_space<vmem>>) semaphore(%run_scoped3A : memref<!tpu.dma_semaphore, #tpu.memory_space<semaphore_mem>>) {add = true}
          %dma_wait3A = arith.constant 0 : i32
          %dma_wait3A_33 = arith.constant 0 : i32
          %dma_wait3A_34 = tpu.memref_slice %arg12[%dma_wait3A, %dma_wait3A_33] : memref<100000x16xf32, #tpu.memory_space<vmem_shared>> -> memref<100000x16xf32, #tpu.memory_space<vmem_shared>>
          tpu.wait_indirect_dma semaphore(%run_scoped3A : memref<!tpu.dma_semaphore, #tpu.memory_space<semaphore_mem>>) src(%arg11 : memref<1000x16xf32, #tpu.memory_space<vmem>>) dst(%dma_wait3A_34 : memref<100000x16xf32, #tpu.memory_space<vmem_shared>>)
          tpu.yield
        }) : () -> ()
        "tpu.region"() ({
          %run_scoped3A = tpu.sem_alloc : memref<!tpu.dma_semaphore, #tpu.memory_space<semaphore_mem>>
          %dma_start3A = arith.constant 0 : i32
          %dma_start3A_31 = arith.constant 0 : i32
          %dma_start3A_32 = tpu.memref_slice %arg12[%dma_start3A, %dma_start3A_31] : memref<100000x16xf32, #tpu.memory_space<vmem_shared>> -> memref<100000x16xf32, #tpu.memory_space<vmem_shared>>
          tpu.enqueue_indirect_dma source(%arg11 : memref<1000x16xf32, #tpu.memory_space<vmem>>) target(%dma_start3A_32 : memref<100000x16xf32, #tpu.memory_space<vmem_shared>>) offsets(%arg10 : memref<1000xi32, #tpu.memory_space<vmem>>) semaphore(%run_scoped3A : memref<!tpu.dma_semaphore, #tpu.memory_space<semaphore_mem>>) {add = true}
          %dma_wait3A = arith.constant 0 : i32
          %dma_wait3A_33 = arith.constant 0 : i32
          %dma_wait3A_34 = tpu.memref_slice %arg12[%dma_wait3A, %dma_wait3A_33] : memref<100000x16xf32, #tpu.memory_space<vmem_shared>> -> memref<100000x16xf32, #tpu.memory_space<vmem_shared>>
          tpu.wait_indirect_dma semaphore(%run_scoped3A : memref<!tpu.dma_semaphore, #tpu.memory_space<semaphore_mem>>) src(%arg11 : memref<1000x16xf32, #tpu.memory_space<vmem>>) dst(%dma_wait3A_34 : memref<100000x16xf32, #tpu.memory_space<vmem_shared>>)
          tpu.yield
        }) : () -> ()
      }
      %scan3A_27 = arith.constant 100 : i32
    } else {
    }
    %barrier3A_10 = arith.constant 0 : index
    tpu.barrier barrier_id(%barrier3A_10)
    %eq3A_11 = arith.constant 0 : i32
    %eq3A_12 = arith.cmpi eq, %arg0, %eq3A_11 : i32
    %convert_element_type3A_13 = arith.extui %eq3A_12 : i1 to i32
    %cond3A_14 = arith.constant 0 : i32
    %cond3A_15 = arith.cmpi ne, %convert_element_type3A_13, %cond3A_14 : i32
    scf.if %cond3A_15 {
      %mul3A_21 = arith.constant 6250 : i32
      %mul3A_22 = arith.muli %arg1, %mul3A_21 : i32
      %mul3A_23 = arith.constant 6250 : i32
      %mul3A_24 = arith.muli %arg1, %mul3A_23 : i32
      "tpu.region"() ({
        %run_scoped3A = tpu.sem_alloc : memref<!tpu.dma_semaphore, #tpu.memory_space<semaphore_mem>>
        %dma_start3A = arith.constant 0 : i32
        %dma_start3A_25 = tpu.memref_slice %arg7[%mul3A_24, %dma_start3A] : memref<100000x16xf32, #tpu.memory_space<hbm>> -> memref<6250x16xf32, #tpu.memory_space<hbm>>
        %dma_start3A_26 = arith.constant 0 : i32
        %dma_start3A_27 = tpu.memref_slice %arg12[%mul3A_22, %dma_start3A_26] : memref<100000x16xf32, #tpu.memory_space<vmem_shared>> -> memref<6250x16xf32, #tpu.memory_space<vmem_shared>>
        tpu.enqueue_dma source(%dma_start3A_27 : memref<6250x16xf32, #tpu.memory_space<vmem_shared>>) target(%dma_start3A_25 : memref<6250x16xf32, #tpu.memory_space<hbm>>) target_semaphore(%run_scoped3A : memref<!tpu.dma_semaphore, #tpu.memory_space<semaphore_mem>>)
        %dma_wait3A = arith.constant 0 : i32
        %dma_wait3A_28 = tpu.memref_slice %arg7[%mul3A_24, %dma_wait3A] : memref<100000x16xf32, #tpu.memory_space<hbm>> -> memref<6250x16xf32, #tpu.memory_space<hbm>>
        %dma_wait3A_29 = arith.constant 0 : i32
        %dma_wait3A_30 = tpu.memref_slice %arg12[%mul3A_22, %dma_wait3A_29] : memref<100000x16xf32, #tpu.memory_space<vmem_shared>> -> memref<6250x16xf32, #tpu.memory_space<vmem_shared>>
        tpu.wait_dma2 semaphore(%run_scoped3A : memref<!tpu.dma_semaphore, #tpu.memory_space<semaphore_mem>>) src(%dma_wait3A_30 : memref<6250x16xf32, #tpu.memory_space<vmem_shared>>) dst(%dma_wait3A_28 : memref<6250x16xf32, #tpu.memory_space<hbm>>)
        tpu.yield
      }) : () -> ()
    } else {
    }
    %eq3A_16 = arith.constant 1 : i32
    %eq3A_17 = arith.cmpi eq, %arg0, %eq3A_16 : i32
    %convert_element_type3A_18 = arith.extui %eq3A_17 : i1 to i32
    %cond3A_19 = arith.constant 0 : i32
    %cond3A_20 = arith.cmpi ne, %convert_element_type3A_18, %cond3A_19 : i32
    scf.if %cond3A_20 {
      %mul3A_21 = arith.constant 6250 : i32
      %mul3A_22 = arith.muli %arg1, %mul3A_21 : i32
      %mul3A_23 = arith.constant 6250 : i32
      %mul3A_24 = arith.muli %arg1, %mul3A_23 : i32
      "tpu.region"() ({
        %run_scoped3A = tpu.sem_alloc : memref<!tpu.dma_semaphore, #tpu.memory_space<semaphore_mem>>
        %dma_start3A = arith.constant 0 : i32
        %dma_start3A_25 = tpu.memref_slice %arg8[%mul3A_24, %dma_start3A] : memref<100000x16xf32, #tpu.memory_space<hbm>> -> memref<6250x16xf32, #tpu.memory_space<hbm>>
        %dma_start3A_26 = arith.constant 0 : i32
        %dma_start3A_27 = tpu.memref_slice %arg12[%mul3A_22, %dma_start3A_26] : memref<100000x16xf32, #tpu.memory_space<vmem_shared>> -> memref<6250x16xf32, #tpu.memory_space<vmem_shared>>
        tpu.enqueue_dma source(%dma_start3A_27 : memref<6250x16xf32, #tpu.memory_space<vmem_shared>>) target(%dma_start3A_25 : memref<6250x16xf32, #tpu.memory_space<hbm>>) target_semaphore(%run_scoped3A : memref<!tpu.dma_semaphore, #tpu.memory_space<semaphore_mem>>)
        %dma_wait3A = arith.constant 0 : i32
        %dma_wait3A_28 = tpu.memref_slice %arg8[%mul3A_24, %dma_wait3A] : memref<100000x16xf32, #tpu.memory_space<hbm>> -> memref<6250x16xf32, #tpu.memory_space<hbm>>
        %dma_wait3A_29 = arith.constant 0 : i32
        %dma_wait3A_30 = tpu.memref_slice %arg12[%mul3A_22, %dma_wait3A_29] : memref<100000x16xf32, #tpu.memory_space<vmem_shared>> -> memref<6250x16xf32, #tpu.memory_space<vmem_shared>>
        tpu.wait_dma2 semaphore(%run_scoped3A : memref<!tpu.dma_semaphore, #tpu.memory_space<semaphore_mem>>) src(%dma_wait3A_30 : memref<6250x16xf32, #tpu.memory_space<vmem_shared>>) dst(%dma_wait3A_28 : memref<6250x16xf32, #tpu.memory_space<hbm>>)
        tpu.yield
      }) : () -> ()
    } else {
    }
    return
  }
}

module attributes {stable_mosaic.version = 14 : i64} {
  func.func @_pre_body(%arg0: i32, %arg1: memref<400x128xf32, #tpu.memory_space<vmem>>, %arg2: memref<400x128xf32, #tpu.memory_space<vmem>>, %arg3: memref<400x128xf32, #tpu.memory_space<vmem>>) attributes {dimension_semantics = [#tpu.dimension_semantics<arbitrary>], iteration_bounds = array<i64: 500>, scalar_prefetch = 0 : i64, scratch_operands = 0 : i64, tpu.core_type = #tpu.core_type<tc>, window_params = [{transform_indices = @transform_0, window_bounds = array<i64: 400, 128>}, {transform_indices = @transform_1, window_bounds = array<i64: 400, 128>}, {transform_indices = @transform_2, window_bounds = array<i64: 400, 128>}]} {
    %get3A = arith.constant 0 : index
    %get3A_0 = arith.constant 0 : index
    %get3A_1 = vector.load %arg1[%get3A, %get3A_0] : memref<400x128xf32, #tpu.memory_space<vmem>>, vector<400x128xf32>
    %bitcast_convert_type3A = tpu.bitcast %get3A_1 : vector<400x128xf32> -> vector<400x128xi32>
    %and3A = arith.constant 2147483647 : i32
    %and3A_2 = vector.broadcast %and3A : i32 to vector<400x128xi32>
    %and3A_3 = arith.andi %bitcast_convert_type3A, %and3A_2 : vector<400x128xi32>
    %shift_right_arithmetic3A = arith.constant 23 : i32
    %shift_right_arithmetic3A_4 = vector.broadcast %shift_right_arithmetic3A : i32 to vector<400x128xi32>
    %shift_right_arithmetic3A_5 = arith.shrsi %and3A_3, %shift_right_arithmetic3A_4 : vector<400x128xi32>
    %convert_element_type3A = arith.sitofp %shift_right_arithmetic3A_5 : vector<400x128xi32> to vector<400x128xf32>
    %sub3A = arith.constant 1.270000e+02 : f32
    %sub3A_6 = vector.broadcast %sub3A : f32 to vector<400x128xf32>
    %sub3A_7 = arith.subf %convert_element_type3A, %sub3A_6 : vector<400x128xf32>
    %and3A_8 = arith.constant 8388607 : i32
    %and3A_9 = vector.broadcast %and3A_8 : i32 to vector<400x128xi32>
    %and3A_10 = arith.andi %and3A_3, %and3A_9 : vector<400x128xi32>
    %or3A = arith.constant 1065353216 : i32
    %or3A_11 = vector.broadcast %or3A : i32 to vector<400x128xi32>
    %or3A_12 = arith.ori %and3A_10, %or3A_11 : vector<400x128xi32>
    %bitcast_convert_type3A_13 = tpu.bitcast %or3A_12 : vector<400x128xi32> -> vector<400x128xf32>
    %mul3A = arith.constant -0.0248256065 : f32
    %mul3A_14 = vector.broadcast %mul3A : f32 to vector<400x128xf32>
    %mul3A_15 = arith.mulf %mul3A_14, %bitcast_convert_type3A_13 : vector<400x128xf32>
    %add3A = arith.constant 0.266858816 : f32
    %add3A_16 = vector.broadcast %add3A : f32 to vector<400x128xf32>
    %add3A_17 = arith.addf %mul3A_15, %add3A_16 : vector<400x128xf32>
    %mul3A_18 = arith.mulf %add3A_17, %bitcast_convert_type3A_13 : vector<400x128xf32>
    %add3A_19 = arith.constant -1.23426318 : f32
    %add3A_20 = vector.broadcast %add3A_19 : f32 to vector<400x128xf32>
    %add3A_21 = arith.addf %mul3A_18, %add3A_20 : vector<400x128xf32>
    %mul3A_22 = arith.mulf %add3A_21, %bitcast_convert_type3A_13 : vector<400x128xf32>
    %add3A_23 = arith.constant 3.21883273 : f32
    %add3A_24 = vector.broadcast %add3A_23 : f32 to vector<400x128xf32>
    %add3A_25 = arith.addf %mul3A_22, %add3A_24 : vector<400x128xf32>
    %mul3A_26 = arith.mulf %add3A_25, %bitcast_convert_type3A_13 : vector<400x128xf32>
    %add3A_27 = arith.constant -5.26411057 : f32
    %add3A_28 = vector.broadcast %add3A_27 : f32 to vector<400x128xf32>
    %add3A_29 = arith.addf %mul3A_26, %add3A_28 : vector<400x128xf32>
    %mul3A_30 = arith.mulf %add3A_29, %bitcast_convert_type3A_13 : vector<400x128xf32>
    %add3A_31 = arith.constant 6.065830e+00 : f32
    %add3A_32 = vector.broadcast %add3A_31 : f32 to vector<400x128xf32>
    %add3A_33 = arith.addf %mul3A_30, %add3A_32 : vector<400x128xf32>
    %mul3A_34 = arith.mulf %add3A_33, %bitcast_convert_type3A_13 : vector<400x128xf32>
    %add3A_35 = arith.constant -3.02831745 : f32
    %add3A_36 = vector.broadcast %add3A_35 : f32 to vector<400x128xf32>
    %add3A_37 = arith.addf %mul3A_34, %add3A_36 : vector<400x128xf32>
    %add3A_38 = arith.addf %sub3A_7, %add3A_37 : vector<400x128xf32>
    %mul3A_39 = arith.constant 0.693147182 : f32
    %mul3A_40 = vector.broadcast %mul3A_39 : f32 to vector<400x128xf32>
    %mul3A_41 = arith.mulf %mul3A_40, %add3A_38 : vector<400x128xf32>
    %swap3A = arith.constant 0 : index
    %swap3A_42 = arith.constant 0 : index
    %swap3A_43 = vector.load %arg2[%swap3A, %swap3A_42] : memref<400x128xf32, #tpu.memory_space<vmem>>, vector<400x128xf32>
    tpu.vector_store %arg2[%swap3A, %swap3A_42], %mul3A_41 {strides = array<i32>} : memref<400x128xf32, #tpu.memory_space<vmem>>, vector<400x128xf32>,
    %lt3A = arith.constant 0 : i32
    %lt3A_44 = vector.broadcast %lt3A : i32 to vector<400x128xi32>
    %lt3A_45 = arith.cmpi slt, %bitcast_convert_type3A, %lt3A_44 : vector<400x128xi32>
    %jit3A = arith.constant 1.000000e+00 : f32
    %jit3A_46 = arith.constant 0.000000e+00 : f32
    %broadcast_in_dim3A = vector.broadcast %jit3A : f32 to vector<400x128xf32>
    %broadcast_in_dim3A_47 = vector.broadcast %jit3A_46 : f32 to vector<400x128xf32>
    %select_n3A = arith.select %lt3A_45, %broadcast_in_dim3A, %broadcast_in_dim3A_47 : vector<400x128xi1>, vector<400x128xf32>
    %swap3A_48 = arith.constant 0 : index
    %swap3A_49 = arith.constant 0 : index
    %swap3A_50 = vector.load %arg3[%swap3A_48, %swap3A_49] : memref<400x128xf32, #tpu.memory_space<vmem>>, vector<400x128xf32>
    tpu.vector_store %arg3[%swap3A_48, %swap3A_49], %select_n3A {strides = array<i32>} : memref<400x128xf32, #tpu.memory_space<vmem>>, vector<400x128xf32>,
    return
  }
  func.func @transform_0(%arg0: i32) -> (i32, i32) {
    %c0_i32 = arith.constant 0 : i32
    %c0_i32_0 = arith.constant 0 : i32
    return %arg0, %c0_i32 : i32, i32
  }
  func.func @transform_1(%arg0: i32) -> (i32, i32) {
    %c0_i32 = arith.constant 0 : i32
    %c0_i32_0 = arith.constant 0 : i32
    return %arg0, %c0_i32 : i32, i32
  }
  func.func @transform_2(%arg0: i32) -> (i32, i32) {
    %c0_i32 = arith.constant 0 : i32
    %c0_i32_0 = arith.constant 0 : i32
    return %arg0, %c0_i32 : i32, i32
  }
}

module attributes {stable_mosaic.version = 14 : i64} {
  func.func @_transform_body(%arg0: i32, %arg1: memref<2000x16xf32, #tpu.memory_space<vmem>>, %arg2: memref<2000x16xf32, #tpu.memory_space<vmem>>, %arg3: memref<2000x16xf32, #tpu.memory_space<vmem>>, %arg4: memref<2000x16xf32, #tpu.memory_space<vmem>>) attributes {dimension_semantics = [#tpu.dimension_semantics<arbitrary>], iteration_bounds = array<i64: 50>, scalar_prefetch = 0 : i64, scratch_operands = 0 : i64, tpu.core_type = #tpu.core_type<tc>, window_params = [{transform_indices = @transform_0, window_bounds = array<i64: 2000, 16>}, {transform_indices = @transform_1, window_bounds = array<i64: 2000, 16>}, {transform_indices = @transform_2, window_bounds = array<i64: 2000, 16>}, {transform_indices = @transform_3, window_bounds = array<i64: 2000, 16>}]} {
    %get3A = arith.constant 0 : index
    %get3A_0 = arith.constant 0 : index
    %get3A_1 = vector.load %arg2[%get3A, %get3A_0] : memref<2000x16xf32, #tpu.memory_space<vmem>>, vector<2000x16xf32>
    %get3A_2 = arith.constant 0 : index
    %get3A_3 = arith.constant 0 : index
    %get3A_4 = vector.load %arg3[%get3A_2, %get3A_3] : memref<2000x16xf32, #tpu.memory_space<vmem>>, vector<2000x16xf32>
    %add3A = arith.addf %get3A_1, %get3A_4 : vector<2000x16xf32>
    %convert_element_type3A = arith.fptosi %add3A : vector<2000x16xf32> to vector<2000x16xi32>
    %and3A = arith.constant 1 : i32
    %and3A_5 = vector.broadcast %and3A : i32 to vector<2000x16xi32>
    %and3A_6 = arith.andi %convert_element_type3A, %and3A_5 : vector<2000x16xi32>
    %eq3A = arith.constant 1 : i32
    %eq3A_7 = vector.broadcast %eq3A : i32 to vector<2000x16xi32>
    %eq3A_8 = arith.cmpi eq, %and3A_6, %eq3A_7 : vector<2000x16xi32>
    %jit3A = arith.constant -1.000000e+00 : f32
    %jit3A_9 = arith.constant 1.000000e+00 : f32
    %broadcast_in_dim3A = vector.broadcast %jit3A : f32 to vector<2000x16xf32>
    %broadcast_in_dim3A_10 = vector.broadcast %jit3A_9 : f32 to vector<2000x16xf32>
    %select_n3A = arith.select %eq3A_8, %broadcast_in_dim3A, %broadcast_in_dim3A_10 : vector<2000x16xi1>, vector<2000x16xf32>
    %get3A_11 = arith.constant 0 : index
    %get3A_12 = arith.constant 0 : index
    %get3A_13 = vector.load %arg1[%get3A_11, %get3A_12] : memref<2000x16xf32, #tpu.memory_space<vmem>>, vector<2000x16xf32>
    %exp3A = math.exp %get3A_13 : vector<2000x16xf32>
    %mul3A = arith.mulf %exp3A, %select_n3A : vector<2000x16xf32>
    %swap3A = arith.constant 0 : index
    %swap3A_14 = arith.constant 0 : index
    %swap3A_15 = vector.load %arg4[%swap3A, %swap3A_14] : memref<2000x16xf32, #tpu.memory_space<vmem>>, vector<2000x16xf32>
    tpu.vector_store %arg4[%swap3A, %swap3A_14], %mul3A {strides = array<i32>} : memref<2000x16xf32, #tpu.memory_space<vmem>>, vector<2000x16xf32>,
    return
  }
  func.func @transform_0(%arg0: i32) -> (i32, i32) {
    %c0_i32 = arith.constant 0 : i32
    %c0_i32_0 = arith.constant 0 : i32
    return %arg0, %c0_i32 : i32, i32
  }
  func.func @transform_1(%arg0: i32) -> (i32, i32) {
    %c0_i32 = arith.constant 0 : i32
    %c0_i32_0 = arith.constant 0 : i32
    return %arg0, %c0_i32 : i32, i32
  }
  func.func @transform_2(%arg0: i32) -> (i32, i32) {
    %c0_i32 = arith.constant 0 : i32
    %c0_i32_0 = arith.constant 0 : i32
    return %arg0, %c0_i32 : i32, i32
  }
  func.func @transform_3(%arg0: i32) -> (i32, i32) {
    %c0_i32 = arith.constant 0 : i32
    %c0_i32_0 = arith.constant 0 : i32
    return %arg0, %c0_i32 : i32, i32
  }
}

module attributes {stable_mosaic.version = 14 : i64} {
  func.func @_mlp_body(%arg0: i32, %arg1: memref<1000x128xf32, #tpu.memory_space<vmem>>, %arg2: memref<1000x128xf32, #tpu.memory_space<vmem>>, %arg3: memref<1000x128xf32, #tpu.memory_space<vmem>>, %arg4: memref<1000x128xf32, #tpu.memory_space<vmem>>, %arg5: memref<1000x128xf32, #tpu.memory_space<vmem>>, %arg6: memref<128x512xbf16, #tpu.memory_space<vmem>>, %arg7: memref<128x512xbf16, #tpu.memory_space<vmem>>, %arg8: memref<128x512xbf16, #tpu.memory_space<vmem>>, %arg9: memref<128x512xbf16, #tpu.memory_space<vmem>>, %arg10: memref<128x512xbf16, #tpu.memory_space<vmem>>, %arg11: memref<1x512xf32, #tpu.memory_space<vmem>>, %arg12: memref<512x128xbf16, #tpu.memory_space<vmem>>, %arg13: memref<1x128xf32, #tpu.memory_space<vmem>>, %arg14: memref<1000x128xf32, #tpu.memory_space<vmem>>) attributes {dimension_semantics = [#tpu.dimension_semantics<arbitrary>], iteration_bounds = array<i64: 200>, scalar_prefetch = 0 : i64, scratch_operands = 0 : i64, tpu.core_type = #tpu.core_type<tc>, window_params = [{transform_indices = @transform_0, window_bounds = array<i64: 1000, 128>}, {transform_indices = @transform_1, window_bounds = array<i64: 1000, 128>}, {transform_indices = @transform_2, window_bounds = array<i64: 1000, 128>}, {transform_indices = @transform_3, window_bounds = array<i64: 1000, 128>}, {transform_indices = @transform_4, window_bounds = array<i64: 1000, 128>}, {pipeline_mode = #tpu.pipeline_mode<synchronous>, transform_indices = @transform_5, window_bounds = array<i64: 128, 512>}, {pipeline_mode = #tpu.pipeline_mode<synchronous>, transform_indices = @transform_6, window_bounds = array<i64: 128, 512>}, {pipeline_mode = #tpu.pipeline_mode<synchronous>, transform_indices = @transform_7, window_bounds = array<i64: 128, 512>}, {pipeline_mode = #tpu.pipeline_mode<synchronous>, transform_indices = @transform_8, window_bounds = array<i64: 128, 512>}, {pipeline_mode = #tpu.pipeline_mode<synchronous>, transform_indices = @transform_9, window_bounds = array<i64: 128, 512>}, {pipeline_mode = #tpu.pipeline_mode<synchronous>, transform_indices = @transform_10, window_bounds = array<i64: 1, 512>}, {pipeline_mode = #tpu.pipeline_mode<synchronous>, transform_indices = @transform_11, window_bounds = array<i64: 512, 128>}, {pipeline_mode = #tpu.pipeline_mode<synchronous>, transform_indices = @transform_12, window_bounds = array<i64: 1, 128>}, {transform_indices = @transform_13, window_bounds = array<i64: 1000, 128>}]} {
    %get3A = arith.constant 0 : index
    %get3A_0 = arith.constant 0 : index
    %get3A_1 = vector.load %arg1[%get3A, %get3A_0] : memref<1000x128xf32, #tpu.memory_space<vmem>>, vector<1000x128xf32>
    %convert_element_type3A = arith.truncf %get3A_1 : vector<1000x128xf32> to vector<1000x128xbf16>
    %get3A_2 = arith.constant 0 : index
    %get3A_3 = arith.constant 0 : index
    %get3A_4 = vector.load %arg6[%get3A_2, %get3A_3] : memref<128x512xbf16, #tpu.memory_space<vmem>>, vector<128x512xbf16>
    %dot_general3A = arith.constant dense<0.000000e+00> : vector<1000x512xf32>
    %dot_general3A_5 = tpu.matmul %convert_element_type3A, %get3A_4, %dot_general3A {dimension_numbers = #tpu.dot_dimension_numbers<[1], [0], [0], [1], [0, 0, 1, 1], [], []>, transpose_lhs_hint = false} : vector<1000x128xbf16>, vector<128x512xbf16>, vector<1000x512xf32> -> vector<1000x512xf32>
    %get3A_6 = arith.constant 0 : index
    %get3A_7 = arith.constant 0 : index
    %get3A_8 = vector.load %arg2[%get3A_6, %get3A_7] : memref<1000x128xf32, #tpu.memory_space<vmem>>, vector<1000x128xf32>
    %convert_element_type3A_9 = arith.truncf %get3A_8 : vector<1000x128xf32> to vector<1000x128xbf16>
    %get3A_10 = arith.constant 0 : index
    %get3A_11 = arith.constant 0 : index
    %get3A_12 = vector.load %arg7[%get3A_10, %get3A_11] : memref<128x512xbf16, #tpu.memory_space<vmem>>, vector<128x512xbf16>
    %dot_general3A_13 = arith.constant dense<0.000000e+00> : vector<1000x512xf32>
    %dot_general3A_14 = tpu.matmul %convert_element_type3A_9, %get3A_12, %dot_general3A_13 {dimension_numbers = #tpu.dot_dimension_numbers<[1], [0], [0], [1], [0, 0, 1, 1], [], []>, transpose_lhs_hint = false} : vector<1000x128xbf16>, vector<128x512xbf16>, vector<1000x512xf32> -> vector<1000x512xf32>
    %add3A = arith.addf %dot_general3A_5, %dot_general3A_14 : vector<1000x512xf32>
    %get3A_15 = arith.constant 0 : index
    %get3A_16 = arith.constant 0 : index
    %get3A_17 = vector.load %arg3[%get3A_15, %get3A_16] : memref<1000x128xf32, #tpu.memory_space<vmem>>, vector<1000x128xf32>
    %convert_element_type3A_18 = arith.truncf %get3A_17 : vector<1000x128xf32> to vector<1000x128xbf16>
    %get3A_19 = arith.constant 0 : index
    %get3A_20 = arith.constant 0 : index
    %get3A_21 = vector.load %arg8[%get3A_19, %get3A_20] : memref<128x512xbf16, #tpu.memory_space<vmem>>, vector<128x512xbf16>
    %dot_general3A_22 = arith.constant dense<0.000000e+00> : vector<1000x512xf32>
    %dot_general3A_23 = tpu.matmul %convert_element_type3A_18, %get3A_21, %dot_general3A_22 {dimension_numbers = #tpu.dot_dimension_numbers<[1], [0], [0], [1], [0, 0, 1, 1], [], []>, transpose_lhs_hint = false} : vector<1000x128xbf16>, vector<128x512xbf16>, vector<1000x512xf32> -> vector<1000x512xf32>
    %add3A_24 = arith.addf %add3A, %dot_general3A_23 : vector<1000x512xf32>
    %get3A_25 = arith.constant 0 : index
    %get3A_26 = arith.constant 0 : index
    %get3A_27 = vector.load %arg4[%get3A_25, %get3A_26] : memref<1000x128xf32, #tpu.memory_space<vmem>>, vector<1000x128xf32>
    %convert_element_type3A_28 = arith.truncf %get3A_27 : vector<1000x128xf32> to vector<1000x128xbf16>
    %get3A_29 = arith.constant 0 : index
    %get3A_30 = arith.constant 0 : index
    %get3A_31 = vector.load %arg9[%get3A_29, %get3A_30] : memref<128x512xbf16, #tpu.memory_space<vmem>>, vector<128x512xbf16>
    %dot_general3A_32 = arith.constant dense<0.000000e+00> : vector<1000x512xf32>
    %dot_general3A_33 = tpu.matmul %convert_element_type3A_28, %get3A_31, %dot_general3A_32 {dimension_numbers = #tpu.dot_dimension_numbers<[1], [0], [0], [1], [0, 0, 1, 1], [], []>, transpose_lhs_hint = false} : vector<1000x128xbf16>, vector<128x512xbf16>, vector<1000x512xf32> -> vector<1000x512xf32>
    %add3A_34 = arith.addf %add3A_24, %dot_general3A_33 : vector<1000x512xf32>
    %get3A_35 = arith.constant 0 : index
    %get3A_36 = arith.constant 0 : index
    %get3A_37 = vector.load %arg5[%get3A_35, %get3A_36] : memref<1000x128xf32, #tpu.memory_space<vmem>>, vector<1000x128xf32>
    %convert_element_type3A_38 = arith.truncf %get3A_37 : vector<1000x128xf32> to vector<1000x128xbf16>
    %get3A_39 = arith.constant 0 : index
    %get3A_40 = arith.constant 0 : index
    %get3A_41 = vector.load %arg10[%get3A_39, %get3A_40] : memref<128x512xbf16, #tpu.memory_space<vmem>>, vector<128x512xbf16>
    %dot_general3A_42 = arith.constant dense<0.000000e+00> : vector<1000x512xf32>
    %dot_general3A_43 = tpu.matmul %convert_element_type3A_38, %get3A_41, %dot_general3A_42 {dimension_numbers = #tpu.dot_dimension_numbers<[1], [0], [0], [1], [0, 0, 1, 1], [], []>, transpose_lhs_hint = false} : vector<1000x128xbf16>, vector<128x512xbf16>, vector<1000x512xf32> -> vector<1000x512xf32>
    %add3A_44 = arith.addf %add3A_34, %dot_general3A_43 : vector<1000x512xf32>
    %get3A_45 = arith.constant 0 : index
    %get3A_46 = arith.constant 0 : index
    %get3A_47 = vector.load %arg11[%get3A_45, %get3A_46] : memref<1x512xf32, #tpu.memory_space<vmem>>, vector<1x512xf32>
    %add3A_48 = vector.broadcast %get3A_47 : vector<1x512xf32> to vector<1000x512xf32>
    %add3A_49 = arith.addf %add3A_44, %add3A_48 : vector<1000x512xf32>
    %max3A = arith.constant 0.000000e+00 : f32
    %max3A_50 = vector.broadcast %max3A : f32 to vector<1000x512xf32>
    %max3A_51 = arith.maximumf %add3A_49, %max3A_50 : vector<1000x512xf32>
    %convert_element_type3A_52 = arith.truncf %max3A_51 : vector<1000x512xf32> to vector<1000x512xbf16>
    %get3A_53 = arith.constant 0 : index
    %get3A_54 = arith.constant 0 : index
    %get3A_55 = vector.load %arg12[%get3A_53, %get3A_54] : memref<512x128xbf16, #tpu.memory_space<vmem>>, vector<512x128xbf16>
    %dot_general3A_56 = arith.constant dense<0.000000e+00> : vector<1000x128xf32>
    %dot_general3A_57 = tpu.matmul %convert_element_type3A_52, %get3A_55, %dot_general3A_56 {dimension_numbers = #tpu.dot_dimension_numbers<[1], [0], [0], [1], [0, 0, 1, 1], [], []>, transpose_lhs_hint = false} : vector<1000x512xbf16>, vector<512x128xbf16>, vector<1000x128xf32> -> vector<1000x128xf32>
    %get3A_58 = arith.constant 0 : index
    %get3A_59 = arith.constant 0 : index
    %get3A_60 = vector.load %arg13[%get3A_58, %get3A_59] : memref<1x128xf32, #tpu.memory_space<vmem>>, vector<1x128xf32>
    %add3A_61 = vector.broadcast %get3A_60 : vector<1x128xf32> to vector<1000x128xf32>
    %add3A_62 = arith.addf %dot_general3A_57, %add3A_61 : vector<1000x128xf32>
    %swap3A = arith.constant 0 : index
    %swap3A_63 = arith.constant 0 : index
    %swap3A_64 = vector.load %arg14[%swap3A, %swap3A_63] : memref<1000x128xf32, #tpu.memory_space<vmem>>, vector<1000x128xf32>
    tpu.vector_store %arg14[%swap3A, %swap3A_63], %add3A_62 {strides = array<i32>} : memref<1000x128xf32, #tpu.memory_space<vmem>>, vector<1000x128xf32>,
    return
  }
  func.func @transform_0(%arg0: i32) -> (i32, i32) {
    %c0_i32 = arith.constant 0 : i32
    %c0_i32_0 = arith.constant 0 : i32
    return %arg0, %c0_i32 : i32, i32
  }
  func.func @transform_1(%arg0: i32) -> (i32, i32) {
    %c0_i32 = arith.constant 0 : i32
    %c0_i32_0 = arith.constant 0 : i32
    return %arg0, %c0_i32 : i32, i32
  }
  func.func @transform_2(%arg0: i32) -> (i32, i32) {
    %c0_i32 = arith.constant 0 : i32
    %c0_i32_0 = arith.constant 0 : i32
    return %arg0, %c0_i32 : i32, i32
  }
  func.func @transform_3(%arg0: i32) -> (i32, i32) {
    %c0_i32 = arith.constant 0 : i32
    %c0_i32_0 = arith.constant 0 : i32
    return %arg0, %c0_i32 : i32, i32
  }
  func.func @transform_4(%arg0: i32) -> (i32, i32) {
    %c0_i32 = arith.constant 0 : i32
    %c0_i32_0 = arith.constant 0 : i32
    return %arg0, %c0_i32 : i32, i32
  }
  func.func @transform_5(%arg0: i32) -> (i32, i32) {
    %c0_i32 = arith.constant 0 : i32
    %c0_i32_0 = arith.constant 0 : i32
    %c0_i32_1 = arith.constant 0 : i32
    return %c0_i32, %c0_i32_0 : i32, i32
  }
  func.func @transform_6(%arg0: i32) -> (i32, i32) {
    %c0_i32 = arith.constant 0 : i32
    %c0_i32_0 = arith.constant 0 : i32
    %c0_i32_1 = arith.constant 0 : i32
    return %c0_i32, %c0_i32_0 : i32, i32
  }
  func.func @transform_7(%arg0: i32) -> (i32, i32) {
    %c0_i32 = arith.constant 0 : i32
    %c0_i32_0 = arith.constant 0 : i32
    %c0_i32_1 = arith.constant 0 : i32
    return %c0_i32, %c0_i32_0 : i32, i32
  }
  func.func @transform_8(%arg0: i32) -> (i32, i32) {
    %c0_i32 = arith.constant 0 : i32
    %c0_i32_0 = arith.constant 0 : i32
    %c0_i32_1 = arith.constant 0 : i32
    return %c0_i32, %c0_i32_0 : i32, i32
  }
  func.func @transform_9(%arg0: i32) -> (i32, i32) {
    %c0_i32 = arith.constant 0 : i32
    %c0_i32_0 = arith.constant 0 : i32
    %c0_i32_1 = arith.constant 0 : i32
    return %c0_i32, %c0_i32_0 : i32, i32
  }
  func.func @transform_10(%arg0: i32) -> (i32, i32) {
    %c0_i32 = arith.constant 0 : i32
    %c0_i32_0 = arith.constant 0 : i32
    %c0_i32_1 = arith.constant 0 : i32
    return %c0_i32, %c0_i32_0 : i32, i32
  }
  func.func @transform_11(%arg0: i32) -> (i32, i32) {
    %c0_i32 = arith.constant 0 : i32
    %c0_i32_0 = arith.constant 0 : i32
    %c0_i32_1 = arith.constant 0 : i32
    return %c0_i32, %c0_i32_0 : i32, i32
  }
  func.func @transform_12(%arg0: i32) -> (i32, i32) {
    %c0_i32 = arith.constant 0 : i32
    %c0_i32_0 = arith.constant 0 : i32
    %c0_i32_1 = arith.constant 0 : i32
    return %c0_i32, %c0_i32_0 : i32, i32
  }
  func.func @transform_13(%arg0: i32) -> (i32, i32) {
    %c0_i32 = arith.constant 0 : i32
    %c0_i32_0 = arith.constant 0 : i32
    return %arg0, %c0_i32 : i32, i32
  }
}

</mosaic_0001>

<sc_bundles>
// kernel: kernel.11.cloned.1.call-start
scs
__scs_entry_jumppad:
0x0: {  	(pc) =	sbr.rel $0x88, $3  }
0x1: {  	(tag) =	ssettag $0x0;
	lr =	simm.s32 $0x1  }
0x2: {  	[smem:$0x3F9B] =	sst lr;
	_ =	strace $0xD0000000  }
0x3: {  	_ = 	snop  }
0x4: {  	_ = 	snop  }
0x5: {  	_ = 	snop  }
0x6: {  	_ = 	snop  }
0x7: {  	_ = 	snop  }
__scs_overlays_trampoline_lowered:
0x8: {  	[smem:$0x3FAA] =	sst s0  }
0x9: {  	[smem:$0x3FAB] =	sst s1  }
0xa: {  	[smem:$0x3FAC] =	sst s2  }
0xb: {  	[smem:$0x3FAD] =	sst s3  }
0xc: {  	[smem:$0x3FAE] =	sst s4  }
0xd: {  	[smem:$0x3FAF] =	sst s5  }
0xe: {  	[smem:$0x3FB0] =	sst s6  }
0xf: {  	[smem:$0x3FB1] =	sst s7  }
0x10: {  	[smem:$0x3FB2] =	sst s8  }
0x11: {  	[smem:$0x3FB3] =	sst s9;
	s0 =	simm.s32 @!p0 $0x0  }
0x12: {  	s1 =	sld [smem:$0x3F99];
	s0 =	simm.s32 @p0 $0x1  }
0x13: {  	[smem:$0x3FB4] =	sst s0;
	s0 =	simm.s32 @!p1 $0x0  }
0x14: {  	s2 =	sld [smem:$0x3F98];
	s0 =	simm.s32 @p1 $0x1  }
0x15: {  	[smem:$0x3FB5] =	sst s0;
	s0 =	simm.s32 @!p2 $0x0  }
0x16: {  	s3 =	sld [smem:$0x3FDB];
	s0 =	simm.s32 @p2 $0x1  }
0x17: {  	s4 =	simm.s32 $0x1BF5;
	[smem:$0x3FB7] =	sst s0  }
0x18: {  	s0 =	sld [smem:$0x3F9A];
	_ =	swait.ge [sflag:s4], $0x0  }
0x19: {  	s7 =	sld [smem:$0x3F9B]  }
0x1a: {  	s8 =	sadd.s32 $0xFFFFE003, lr  }
0x1b: {  	s9 =	sadd.s32 $0xFFFFFEF7, lr;
	s5 =	simm.s32 $0xFFFFFFFF;
	p2 =	slt.u32 s8, $0xFFFFF086  }
0x1c: {  	p1 =	slt.u32 s9, $0xF7A;
	s5 =	simm.s32 @!p2 $0x0  }
0x1d: {  	s5 =	simm.s32 @p1 $0x1;
	p0 =	seq.s32 s7, s2  }
0x1e: {  	s7 =	smul.u32 @!p0 $0xF7A, s2;
	p2 =	seq.s32 @!p0 s5, $0x0  }
0x1f: {  	s9 =	smul.u32 $0xF7A, s1;
	s8 =	simm.s32 @!p0 $0x1BF5;
	p2 =	por !p2, p0  }
0x20: {  	[sflag:s8] =	ssyncset.s32 @!p0 $0xFFFFF086;
	s6 =	sadd.s32 @!p0 s3, s7;
	s7 =	simm.s32 @!p0 $0x108  }
0x21: {  	s3 =	sadd.s32 s3, s9;
	s6 =	sadd.s32 @!p0 $0x88, s6;
	s7 =	simm.s32 @p2 $0x1082  }
0x22: {  	[simem:s7], [sflag:s8] =	dma.local @!p0 [hbm:s6], $0xF7A  }
0x23: {  	s9 =	sor.u32 $0xD0000000, s2;
	s6 =	simm.s32 $0x108;
	_ =	swait.ge @!p0 [sflag:s8], $0x0  }
0x24: {  	s3 =	sadd.s32 $0x88, s3;
	s6 =	simm.s32 @!p1 $0x1082;
	[sflag:s4] =	ssyncset.s32 $0xFFFFF086  }
0x25: {  	[simem:s6], [sflag:s4] =	dma.local [hbm:s3], $0xF7A  }
0x26: {  	[smem:$0x3F9B] =	sst s1;
	(tag) =	ssettag s2;
	_ =	strace s9  }
0x27: {  	s1 =	sld [smem:$0x3FAB]  }
0x28: {  	s2 =	sld [smem:$0x3FAC]  }
0x29: {  	s4 =	sld [smem:$0x3FAE]  }
0x2a: {  	p0 =	seq.s32 s5, $0x0;
	s5 =	sld [smem:$0x3FAF]  }
0x2b: {  	s6 =	sld [smem:$0x3FB0]  }
0x2c: {  	s7 =	sld [smem:$0x3FB1]  }
0x2d: {  	s3 =	simm.s32 $0x108;
	s8 =	sld [smem:$0x3FB2]  }
0x2e: {  	s3 =	simm.s32 @!p0 $0x1082;
	s9 =	sld [smem:$0x3FB3]  }
0x2f: {  	lr =	sadd.s32 s0, s3;
	s0 =	sld [smem:$0x3FAA]  }
0x30: {  	s3 =	sld [smem:$0x3FAD]  }
0x31: {  	[smem:$0x3FB6] =	sst s10  }
0x32: {  	s10 =	sld [smem:$0x3FB4];
	_ =	sdelay $0x3  }
0x33: {  	p0 =	seq.s32 s10, $0x1;
	s10 =	sld [smem:$0x3FB6];
	_ =	sdelay $0x3  }
0x34: {  	[smem:$0x3FB6] =	sst s10  }
0x35: {  	s10 =	sld [smem:$0x3FB5];
	_ =	sdelay $0x3  }
0x36: {  	p1 =	seq.s32 s10, $0x1;
	s10 =	sld [smem:$0x3FB6];
	_ =	sdelay $0x3  }
0x37: {  	[smem:$0x3FB6] =	sst s10  }
0x38: {  	s10 =	sld [smem:$0x3FB7]  }
0x39: {  	_ = 	snop;
	(pc) =	sbr.ind lr, $3  }
0x3a: {  	_ = 	snop  }
0x3b: {  	_ = 	snop  }
0x3c: {  	p2 =	seq.s32 s10, $0x1;
	s10 =	sld [smem:$0x3FB6]  }
0x3d: {  	_ =	shalt  }
0x3e: {  	_ =	shalt  }
0x3f: {  	_ =	shalt  }
0x40: {  	_ =	shalt  }
0x41: {  	_ =	shalt  }
0x42: {  	_ =	shalt  }
0x43: {  	_ =	shalt  }
0x44: {  	_ =	shalt  }
0x45: {  	_ =	shalt  }
0x46: {  	_ =	shalt  }
0x47: {  	_ =	shalt  }
0x48: {  	_ =	shalt  }
0x49: {  	_ =	shalt  }
0x4a: {  	_ =	shalt  }
0x4b: {  	_ =	shalt  }
0x4c: {  	_ =	shalt  }
0x4d: {  	_ =	shalt  }
0x4e: {  	_ =	shalt  }
0x4f: {  	_ =	shalt  }
0x50: {  	_ =	shalt  }
0x51: {  	_ =	shalt  }
0x52: {  	_ =	shalt  }
0x53: {  	_ =	shalt  }
0x54: {  	_ =	shalt  }
0x55: {  	_ =	shalt  }
0x56: {  	_ =	shalt  }
0x57: {  	_ =	shalt  }
0x58: {  	_ =	shalt  }
0x59: {  	_ =	shalt  }
0x5a: {  	_ =	shalt  }
0x5b: {  	_ =	shalt  }
0x5c: {  	_ =	shalt  }
0x5d: {  	_ =	shalt  }
0x5e: {  	_ =	shalt  }
0x5f: {  	_ =	shalt  }
0x60: {  	_ =	shalt  }
0x61: {  	_ =	shalt  }
0x62: {  	_ =	shalt  }
0x63: {  	_ =	shalt  }
0x64: {  	_ =	shalt  }
0x65: {  	_ =	shalt  }
0x66: {  	_ =	shalt  }
0x67: {  	_ =	shalt  }
0x68: {  	_ =	shalt  }
0x69: {  	_ =	shalt  }
0x6a: {  	_ =	shalt  }
0x6b: {  	_ =	shalt  }
0x6c: {  	_ =	shalt  }
0x6d: {  	_ =	shalt  }
0x6e: {  	_ =	shalt  }
0x6f: {  	_ =	shalt  }
0x70: {  	_ =	shalt  }
0x71: {  	_ =	shalt  }
0x72: {  	_ =	shalt  }
0x73: {  	_ =	shalt  }
0x74: {  	_ =	shalt  }
0x75: {  	_ =	shalt  }
0x76: {  	_ =	shalt  }
0x77: {  	_ =	shalt  }
0x78: {  	_ =	shalt  }
0x79: {  	_ =	shalt  }
0x7a: {  	_ =	shalt  }
0x7b: {  	_ =	shalt  }
0x7c: {  	_ =	shalt  }
0x7d: {  	_ =	shalt  }
0x7e: {  	_ =	shalt  }
0x7f: {  	_ =	shalt  }
0x80: {  	_ =	shalt  }
0x81: {  	_ =	shalt  }
0x82: {  	_ =	shalt  }
0x83: {  	_ =	shalt  }
0x84: {  	_ =	shalt  }
0x85: {  	_ =	shalt  }
0x86: {  	_ =	shalt  }
0x87: {  	_ =	shalt  }
.Lfunc_end0:
.L_simem_size_0:
called_computation.2_lowered:
.L_overlay_start_0:
0x88: {  	s2 =	sld [smem:$0x3FD9]  }
0x89: {  	s3 =	sld [smem:$0x3FFE];
	_ =	sdelay $0x1  }
0x8a: {  	s1 =	srdreg.scid  }
0x8b: {  	s0 =	sand.u32 $0x1, s1  }
0x8c: {  	s17 =	sshll.u32 s0, $0xA;
	s2 =	sadd.s32 s3, s2  }
0x8d: {  	s2 =	sadd.s32 s2, s17  }
0x8e: {  	[smem:$0x3FC2] =	sst s2  }
0x8f: {  	_ = 	snop  }
0x90: {  	(tm) =	ssettm $0x1  }
0x91: {  	s18 =	sld [smem:$0x3FFB];
	_ =	sdelay $0x3  }
0x92: {  	_ =	strace s18  }
0x93: {  	s2 =	sld [smem:$0x3FFC];
	_ =	sdelay $0x3  }
0x94: {  	_ =	strace s2  }
0x95: {  	s2 =	sld [smem:$0x3FFD];
	_ =	sdelay $0x3  }
0x96: {  	_ =	strace s2  }
0x97: {  	_ =	strace $0x8FFFFFFF  }
0x98: {  	s19 =	sld [smem:$0x3FDB];
	_ =	sdelay $0x1  }
0x99: {  	s20 =	simm.s32 $_scs_section_size  }
0x9a: {  	s4 =	simm.s32 $_size__tile_overlayer_lowered;
	s5 =	simm.s32 $_tile_overlayer_lowered  }
0x9b: {  	s6 =	simm.s32 $0x1BFF;
	s21 =	sshll.u32 s5, $0x1;
	s3 =	sadd.s32 s20, s19  }
0x9c: {  	s22 =	simm.s32 $0x0;
	s4 =	sshll.u32 s4, $0x1;
	s5 =	sadd.s32 s21, s3  }
0x9d: {  	[timem:s22], [sflag:s6] =	dma.local [hbm:s5], s4  }
0x9e: {  	_ =	swait.ge [sflag:s6], s4  }
0x9f: {  	s4 =	ssub.s32 $0x0, s4;
	[sflag:s6] =	ssyncset.done $0x0  }
0xa0: {  	[sflag:s6] =	ssyncadd.s32 s4;
	_ =	sdelay $0x1  }
0xa1: {  	s23 =	simm.s32 $0x1B8B  }
0xa2: {  	_ =	swait.ge [sflag:s23], $0x1  }
0xa3: {  	[sflag:s23] =	ssyncset.done $0x0  }
0xa4: {  	[sflag:s23] =	ssyncadd.s32 $0xFFFFFFFF  }
0xa5: {  	s4 =	sld [smem:$0x0]  }
0xa6: {  	s5 =	sand.u32 $0xFFFFFFFE, s1  }
0xa7: {  	p0 =	sne.s32 s1, s5  }
0xa8: {  	s5 =	sshll.u32 @p0 s5, $0xE  }
0xa9: {  	s5 =	sadd.s32 @p0 $0x11B8D, s5;
	s6 =	sshll.u32 @p0 s4, $0x11  }
0xaa: {  	s5 =	sor.u32 @p0 s6, s5  }
0xab: {  	[sflag:s5] =	ssyncadd.remote.s32 @p0 $0x1;
	_ =	sdelay $0x1  }
0xac: {  	s5 =	simm.s32 @p0 $0x1B8D  }
0xad: {  	_ =	swait.eq @p0 [sflag:s5], $0x1  }
0xae: {  	[sflag:s5] =	ssyncadd.s32 @p0 $0xFFFFFFFF  }
0xaf: {  	s6 =	sshll.u32 @!p0 s1, $0xE  }
0xb0: {  	s6 =	sor.u32 @!p0 $0x4000, s6;
	s5 =	simm.s32 @!p0 $0x1B8D  }
0xb1: {  	s4 =	sshll.u32 @!p0 s4, $0x11;
	s6 =	sadd.s32 @!p0 $0x11B8D, s6;
	_ =	swait.eq @!p0 [sflag:s5], $0x1  }
0xb2: {  	s4 =	sor.u32 @!p0 s4, s6;
	[sflag:s5] =	ssyncadd.s32 @!p0 $0xFFFFFFFF  }
0xb3: {  	s25 =	simm.s32 $0x1B8E;
	s24 =	sld [smem:$0x3FFE];
	[sflag:s4] =	ssyncadd.remote.s32 @!p0 $0x1  }
0xb4: {  	s26 =	simm.s32 $execute0_lowered;
	[smem:$0x3FD2] =	sst s25  }
0xb5: {  	s5 =	sshll.u32 s26, $0x1;
	_ =	strace $0x80000049;
	[dreg:$0x1] =	wrdreg $0xFFFFFFFF  }
0xb6: {  	s28 =	simm.s32 $_size_execute0_lowered;
	s3 =	sadd.s32 s3, s5;
	[dreg:$0x0] =	wrdreg $0x0  }
0xb7: {  	s5 =	sshll.u32 s28, $0x1;
	[dreg:$0x2] =	wrdreg s3  }
0xb8: {  	[dreg:$0x3] =	wrdreg s5  }
0xb9: {  	[dreg:$0x4] =	wrdreg $0xC0  }
0xba: {  	_ =	task [dreg:s22], $0x5FFFF  }
0xbb: {  	[dreg:$0x1] =	wrdreg $0xFFFFFFFF  }
0xbc: {  	[dreg:$0x0] =	wrdreg $0x60  }
0xbd: {  	[dreg:$0x2] =	wrdreg s24  }
0xbe: {  	[dreg:$0x3] =	wrdreg $0x46500  }
0xbf: {  	[dreg:$0x4] =	wrdreg $0xA  }
0xc0: {  	_ =	task.clear_ibuf [dreg:s22], $0x5FFFF;
	_ =	strace $0x90000049  }
0xc1: {  	s29 =	simm.s32 $0xA;
	_ =	strace $0x8000004B  }
0xc2: {  	_ =	swait.ge [sflag:s29], $0x1  }
0xc3: {  	[sflag:s29] =	ssyncadd.s32 $0xFFFFFFFF  }
0xc4: {  	_ =	strace $0x9000004B  }
0xc5: {  	_ =	sfence  }
0xc6: {  	s30 =	sld [smem:$0x0];
	_ =	sdelay $0x2  }
0xc7: {  	s31 =	sshll.u32 s1, $0xD;
	s1 =	sshrl.u32 s1, $0x2  }
0xc8: {  	s4 =	sand.u32 $0x4000, s31;
	s1 =	sadd.s32 s1, s30  }
0xc9: {  	s0 =	sor.u32 s4, s0;
	s1 =	sshll.u32 s1, $0x11  }
0xca: {  	s0 =	sor.u32 s1, s0  }
0xcb: {  	s0 =	sadd.s32 $0x8F2B, s0  }
0xcc: {  	[sflag:s0] =	ssyncadd.remote.s32 $0x1  }
0xcd: {  	_ =	sfence.sel $0xFFFF  }
0xce: {  	[dreg:$0x0] =	wrdreg $0xFFFFFFFF;
	(pc) =	sbr.abs _section_cstart, $3  }
0xcf: {  	[dreg:$0x1] =	wrdreg $0xFFFFFFFF  }
0xd0: {  	_ =	task.clear_ibuf [dreg:s22], $0x2FFFF;
	_ =	strace $0x9FFFFFFF  }
0xd1: {  	(tm) =	ssettm $0x7FFFFFFF  }
tec
execute0_lowered:
.L_overlay_start_1:
0x0: {  	(tag) =	ssettag $0x1  }
0x1: {  	s4 =	rddreg [dreg:$0x0];
	s0 =	srdreg.scid  }
0x2: {  	s2 =	rddreg [dreg:$0x1];
	s1 =	stileid.u32  }
0x3: {  	s3 =	simm.s32 $0x0;
	s13 =	simm.s32 $0x742200;
	s14 =	simm.s32 $0x7D0  }
0x4: {  	s6 =	sand.u32 $0x1, s0;
	s0 =	rddreg [dreg:$0x2];
	s7 =	smul.u32 $0xC350, s1  }
0x5: {  	s15 =	simm.s32 $0x0;
	[smem:$0x7FF] =	sst s3;
	s28 =	smul.u32 $0x186A0, s1  }
0x6: {  	s31 =	sshll.u32 s1, $0x6;
	s5 =	smul.u32 $0xC3500, s6;
	_ =	strace $0x8000004A  }
0x7: {  	s8 =	smul.u32 $0x186A00, s6;
	s9 =	ssub.s32 $0x2, s6;
	p0 =	seq.s32 s6, $0x1  }
0x8: {  	s29 =	sshrl.u32 s28, $0x3;
	s11 =	sshrl.u32 s9, $0x1;
	s30 =	sadd.s32 s28, s2  }
0x9: {  	s13 =	simm.s32 @!p0 $0x711400;
	s5 =	sadd.s32 s7, s5;
	s8 =	sadd.s32 s8, s4  }
0xa: {  	s12 =	sadd.s32 s29, s4;
	s9 =	ssub.s32 s9, s11;
	s11 =	sshrl.u32 s30, $0x3  }
0xb: {  	s5 =	sshrl.u32 s5, $0x3;
	s6 =	smax.u32 s9, $0x1;
	s8 =	sadd.s32 s28, s8  }
0xc: {  	s7 =	sadd.s32 s13, s12;
	s10 =	sadd.s32 s5, s4;
	s4 =	sadd.s32 $0x67EA00, s12  }
0xd: {  	s13 =	simm.s32 $0x3E8;
	s5 =	sor.u32 $0x1C01, s31;
	s8 =	sadd.s32 $0x371600, s8  }
0xe: {  	s12 =	simm.s32 $0x1;
	s9 =	sadd.s32 $0x2600, s10;
	s10 =	sadd.s32 $0x33400, s10  }
.LBB2_1:
0xf: {  	[spmem:s11], [sflag:s5] =	dma.local [hbm:s4], $0x30D4  }
0x10: {  	_ =	swait.ge [sflag:s12], $0x30D4  }
0x11: {  	[sflag:s12] =	ssyncset.done $0x0  }
0x12: {  	[sflag:s12] =	ssyncadd.s32 $0xFFFFCF2C  }
0x13: {  	s16 =	sadd.s32 $0x0, s10;
	[bflag:$0x0] =	sbarrier.arrive $0xFFFF  }
0x14: {  	[tilespmem:s3], [sflag:$0x1] =	stream.linear.gather [hbm4b:s16+s3], $0x3E8, $0x38;
	[tilespmem:$0x1CCF0] =	vst v63  }
0x15: {  	_ =	swait.ge [sflag:s12], $0x3E8  }
0x16: {  	[sflag:s12] =	ssyncset.done $0x0  }
0x17: {  	s31 =	sadd.s32 $0x0, s9;
	[sflag:s12] =	ssyncadd.s32 $0xFFFFFC18  }
0x18: {  	[tilespmem:s13], [sflag:$0x1] =	stream.linear.gather [hbm4b:s31+s3], $0x3E8, $0x38;
	[tilespmem:$0x1CCF0] =	vst v63  }
0x19: {  	_ =	swait.ge [sflag:s12], $0x3E8  }
0x1a: {  	[sflag:s12] =	ssyncset.done $0x0  }
0x1b: {  	[sflag:s12] =	ssyncadd.s32 $0xFFFFFC18  }
0x1c: {  	[tilespmem:s14], [sflag:$0x1] =	stream.linear.gather [hbm4b:s8+s3], $0x3E80, $0x38;
	[tilespmem:$0x1CCF0] =	vst v63  }
0x1d: {  	_ =	swait.ge [sflag:s12], $0x3E80  }
0x1e: {  	[sflag:s12] =	ssyncset.done $0x0  }
0x1f: {  	[sflag:s12] =	ssyncadd.s32 $0xFFFFC180  }
0x20: {  	[spmem:s2] =	stream.indirect.scatter.add.f32 [tilespmem:s14], [sflag:$0x1], $0x10, s3, s13, $0xb8;
	[tilespmem:$0x1CCF0] =	vst v63  }
0x21: {  	_ =	swait.ge [sflag:s12], $0x3E80  }
0x22: {  	[sflag:s12] =	ssyncset.done $0x0  }
0x23: {  	[sflag:s12] =	ssyncadd.s32 $0xFFFFC180  }
0x24: {  	[spmem:s2] =	stream.indirect.scatter.add.f32 [tilespmem:s14], [sflag:$0x1], $0x10, s13, s13, $0xb8;
	[tilespmem:$0x1CCF0] =	vst v63  }
0x25: {  	s17 =	simm.s32 $0x7D;
	_ =	swait.ge [sflag:s12], $0x3E80  }
0x26: {  	s18 =	simm.s32 $0xFA;
	s16 =	sadd.s32 $0x7D0, s8;
	[sflag:s12] =	ssyncset.done $0x0  }
.LBB2_2:
0x27: {  	s19 =	sadd.s32 s17, s10  }
0x28: {  	[sflag:s12] =	ssyncadd.s32 $0xFFFFC180;
	s20 =	smov.u32 s18;
	s21 =	sadd.s32 $0x7D, s18  }
0x29: {  	[tilespmem:s3], [sflag:$0x1] =	stream.linear.gather [hbm4b:s19+s3], $0x3E8, $0x38;
	[tilespmem:$0x1CCF0] =	vst v63  }
0x2a: {  	p0 =	sne.s32 s18, $0x17ED;
	_ =	swait.ge [sflag:s12], $0x3E8  }
0x2b: {  	[sflag:s12] =	ssyncset.done $0x0  }
0x2c: {  	s18 =	sadd.s32 s17, s9;
	s17 =	smov.u32 s20;
	[sflag:s12] =	ssyncadd.s32 $0xFFFFFC18  }
0x2d: {  	[tilespmem:s13], [sflag:$0x1] =	stream.linear.gather [hbm4b:s18+s3], $0x3E8, $0x38;
	[tilespmem:$0x1CCF0] =	vst v63  }
0x2e: {  	_ =	swait.ge [sflag:s12], $0x3E8  }
0x2f: {  	[sflag:s12] =	ssyncset.done $0x0  }
0x30: {  	[sflag:s12] =	ssyncadd.s32 $0xFFFFFC18  }
0x31: {  	[tilespmem:s14], [sflag:$0x1] =	stream.linear.gather [hbm4b:s16+s3], $0x3E80, $0x38;
	[tilespmem:$0x1CCF0] =	vst v63  }
0x32: {  	_ =	swait.ge [sflag:s12], $0x3E80  }
0x33: {  	[sflag:s12] =	ssyncset.done $0x0  }
0x34: {  	[sflag:s12] =	ssyncadd.s32 $0xFFFFC180  }
0x35: {  	[spmem:s2] =	stream.indirect.scatter.add.f32 [tilespmem:s14], [sflag:$0x1], $0x10, s3, s13, $0xb8;
	[tilespmem:$0x1CCF0] =	vst v63  }
0x36: {  	_ =	swait.ge [sflag:s12], $0x3E80  }
.Ltmp0:
0x37: {  	[sflag:s12] =	ssyncset.done $0x0;
	(pc) =	sbr.rel @p0 .LBB2_2-.Ltmp0, $4  }
0x38: {  	[sflag:s12] =	ssyncadd.s32 $0xFFFFC180  }
0x39: {  	[spmem:s2] =	stream.indirect.scatter.add.f32 [tilespmem:s14], [sflag:$0x1], $0x10, s13, s13, $0xb8;
	[tilespmem:$0x1CCF0] =	vst v63  }
0x3a: {  	_ =	swait.ge [sflag:s12], $0x3E80  }
0x3b: {  	s18 =	smov.u32 s21;
	s16 =	sadd.s32 $0x7D0, s16;
	[sflag:s12] =	ssyncset.done $0x0  }
0x3c: {  	s18 =	sadd.s32 s17, s10;
	[sflag:s12] =	ssyncadd.s32 $0xFFFFC180  }
0x3d: {  	[tilespmem:s3], [sflag:$0x1] =	stream.linear.gather [hbm4b:s18+s3], $0x3E8, $0x38;
	[tilespmem:$0x1CCF0] =	vst v63  }
0x3e: {  	_ =	swait.ge [sflag:s12], $0x3E8  }
0x3f: {  	[sflag:s12] =	ssyncset.done $0x0  }
0x40: {  	s31 =	sadd.s32 s17, s9;
	[sflag:s12] =	ssyncadd.s32 $0xFFFFFC18  }
0x41: {  	[tilespmem:s13], [sflag:$0x1] =	stream.linear.gather [hbm4b:s31+s3], $0x3E8, $0x38;
	[tilespmem:$0x1CCF0] =	vst v63  }
0x42: {  	_ =	swait.ge [sflag:s12], $0x3E8  }
0x43: {  	[sflag:s12] =	ssyncset.done $0x0  }
0x44: {  	[sflag:s12] =	ssyncadd.s32 $0xFFFFFC18  }
0x45: {  	[tilespmem:s14], [sflag:$0x1] =	stream.linear.gather [hbm4b:s16+s3], $0x3E80, $0x38;
	[tilespmem:$0x1CCF0] =	vst v63  }
0x46: {  	_ =	swait.ge [sflag:s12], $0x3E80  }
0x47: {  	[sflag:s12] =	ssyncset.done $0x0  }
0x48: {  	[sflag:s12] =	ssyncadd.s32 $0xFFFFC180  }
0x49: {  	[spmem:s2] =	stream.indirect.scatter.add.f32 [tilespmem:s14], [sflag:$0x1], $0x10, s3, s13, $0xb8;
	[tilespmem:$0x1CCF0] =	vst v63  }
0x4a: {  	_ =	swait.ge [sflag:s12], $0x3E80  }
0x4b: {  	[sflag:s12] =	ssyncset.done $0x0  }
0x4c: {  	[sflag:s12] =	ssyncadd.s32 $0xFFFFC180  }
0x4d: {  	[spmem:s2] =	stream.indirect.scatter.add.f32 [tilespmem:s14], [sflag:$0x1], $0x10, s13, s13, $0xb8;
	[tilespmem:$0x1CCF0] =	vst v63  }
0x4e: {  	_ =	swait.ge [sflag:s12], $0x3E80  }
0x4f: {  	s15 =	sadd.s32 $0x1, s15;
	[sflag:s12] =	ssyncset.done $0x0  }
0x50: {  	p0 =	sne.s32 s15, s6;
	[sflag:s12] =	ssyncadd.s32 $0xFFFFC180  }
.Ltmp1:
0x51: {  	[bflag:$0x0] =	sbarrier.arrive $0xFFFF;
	(pc) =	sbr.rel @p0 .LBB2_1-.Ltmp1, $4  }
0x52: {  	[hbm:s7], [sflag:s5] =	dma.local [spmem:s11], $0x30D4  }
0x53: {  	_ =	swait.ge [sflag:s12], $0x30D4  }
0x54: {  	[sflag:s12] =	ssyncset.done $0x0  }
0x55: {  	[sflag:s12] =	ssyncadd.s32 $0xFFFFCF2C  }
0x56: {  	_ =	sfence.sel $0x180000  }
0x57: {  	[bflag:$0x0] =	sbarrier.arrive $0xFFFF  }
0x58: {  	p0 =	sne.s32 s1, $0x0;
	_ =	strace $0x9000004A  }
0x59: {  	s0 =	sadd.s32 @!p0 $0x100000, s0;
	[bflag:$0x2] =	sbarrier.arrive $0xFFFF  }
0x5a: {  	[sflag:s0] =	ssyncadd.tile.s32 @!p0 $0x1;
	_ =	shalt  }
.Lfunc_end2:
_tile_overlayer_lowered:
.L_overlay_start_2:
0x5b: {  	(tag) =	ssettag $0x2  }
0x5c: {  	s0 =	rddreg [dreg:$0x0];
	s2 =	stileid.u32  }
0x5d: {  	s1 =	rddreg [dreg:$0x1];
	p0 =	sne.s32 s2, $0x0  }
0x5e: {  	s3 =	rddreg [dreg:$0x2];
	[bflag:$0x3] =	sbarrier.arrive $0xFFFF;
	s2 =	simm.s32 @!p0 $0x1C01  }
0x5f: {  	[timem:s3], [sflag:s2] =	dma.local @!p0 [hbm:s0], s1  }
0x60: {  	s0 =	simm.s32 @!p0 $0x1  }
0x61: {  	_ =	swait.ge @!p0 [sflag:s0], s1  }
0x62: {  	s1 =	ssub.s32 @!p0 $0x0, s1;
	[sflag:s0] =	ssyncset.done @!p0 $0x0  }
0x63: {  	[sflag:s0] =	ssyncadd.s32 @!p0 s1  }
0x64: {  	[bflag:$0x3] =	sbarrier.arrive $0xFFFF  }
0x65: {  	_ =	shalt  }

// kernel: kernel.14.cloned.1.call-start
scs
__scs_entry_jumppad:
0x0: {  	(pc) =	sbr.rel $0x88, $3  }
0x1: {  	(tag) =	ssettag $0x0;
	lr =	simm.s32 $0x1  }
0x2: {  	[smem:$0x3F9B] =	sst lr;
	_ =	strace $0xD0000000  }
0x3: {  	_ = 	snop  }
0x4: {  	_ = 	snop  }
0x5: {  	_ = 	snop  }
0x6: {  	_ = 	snop  }
0x7: {  	_ = 	snop  }
__scs_overlays_trampoline_lowered:
0x8: {  	[smem:$0x3FAA] =	sst s0  }
0x9: {  	[smem:$0x3FAB] =	sst s1  }
0xa: {  	[smem:$0x3FAC] =	sst s2  }
0xb: {  	[smem:$0x3FAD] =	sst s3  }
0xc: {  	[smem:$0x3FAE] =	sst s4  }
0xd: {  	[smem:$0x3FAF] =	sst s5  }
0xe: {  	[smem:$0x3FB0] =	sst s6  }
0xf: {  	[smem:$0x3FB1] =	sst s7  }
0x10: {  	[smem:$0x3FB2] =	sst s8  }
0x11: {  	[smem:$0x3FB3] =	sst s9;
	s0 =	simm.s32 @!p0 $0x0  }
0x12: {  	s1 =	sld [smem:$0x3F99];
	s0 =	simm.s32 @p0 $0x1  }
0x13: {  	[smem:$0x3FB4] =	sst s0;
	s0 =	simm.s32 @!p1 $0x0  }
0x14: {  	s2 =	sld [smem:$0x3F98];
	s0 =	simm.s32 @p1 $0x1  }
0x15: {  	[smem:$0x3FB5] =	sst s0;
	s0 =	simm.s32 @!p2 $0x0  }
0x16: {  	s3 =	sld [smem:$0x3FDB];
	s0 =	simm.s32 @p2 $0x1  }
0x17: {  	s4 =	simm.s32 $0x1BF5;
	[smem:$0x3FB7] =	sst s0  }
0x18: {  	s0 =	sld [smem:$0x3F9A];
	_ =	swait.ge [sflag:s4], $0x0  }
0x19: {  	s7 =	sld [smem:$0x3F9B]  }
0x1a: {  	s8 =	sadd.s32 $0xFFFFE003, lr  }
0x1b: {  	s9 =	sadd.s32 $0xFFFFFEF7, lr;
	s5 =	simm.s32 $0xFFFFFFFF;
	p2 =	slt.u32 s8, $0xFFFFF086  }
0x1c: {  	p1 =	slt.u32 s9, $0xF7A;
	s5 =	simm.s32 @!p2 $0x0  }
0x1d: {  	s5 =	simm.s32 @p1 $0x1;
	p0 =	seq.s32 s7, s2  }
0x1e: {  	s7 =	smul.u32 @!p0 $0xF7A, s2;
	p2 =	seq.s32 @!p0 s5, $0x0  }
0x1f: {  	s9 =	smul.u32 $0xF7A, s1;
	s8 =	simm.s32 @!p0 $0x1BF5;
	p2 =	por !p2, p0  }
0x20: {  	[sflag:s8] =	ssyncset.s32 @!p0 $0xFFFFF086;
	s6 =	sadd.s32 @!p0 s3, s7;
	s7 =	simm.s32 @!p0 $0x108  }
0x21: {  	s3 =	sadd.s32 s3, s9;
	s6 =	sadd.s32 @!p0 $0x88, s6;
	s7 =	simm.s32 @p2 $0x1082  }
0x22: {  	[simem:s7], [sflag:s8] =	dma.local @!p0 [hbm:s6], $0xF7A  }
0x23: {  	s9 =	sor.u32 $0xD0000000, s2;
	s6 =	simm.s32 $0x108;
	_ =	swait.ge @!p0 [sflag:s8], $0x0  }
0x24: {  	s3 =	sadd.s32 $0x88, s3;
	s6 =	simm.s32 @!p1 $0x1082;
	[sflag:s4] =	ssyncset.s32 $0xFFFFF086  }
0x25: {  	[simem:s6], [sflag:s4] =	dma.local [hbm:s3], $0xF7A  }
0x26: {  	[smem:$0x3F9B] =	sst s1;
	(tag) =	ssettag s2;
	_ =	strace s9  }
0x27: {  	s1 =	sld [smem:$0x3FAB]  }
0x28: {  	s2 =	sld [smem:$0x3FAC]  }
0x29: {  	s4 =	sld [smem:$0x3FAE]  }
0x2a: {  	p0 =	seq.s32 s5, $0x0;
	s5 =	sld [smem:$0x3FAF]  }
0x2b: {  	s6 =	sld [smem:$0x3FB0]  }
0x2c: {  	s7 =	sld [smem:$0x3FB1]  }
0x2d: {  	s3 =	simm.s32 $0x108;
	s8 =	sld [smem:$0x3FB2]  }
0x2e: {  	s3 =	simm.s32 @!p0 $0x1082;
	s9 =	sld [smem:$0x3FB3]  }
0x2f: {  	lr =	sadd.s32 s0, s3;
	s0 =	sld [smem:$0x3FAA]  }
0x30: {  	s3 =	sld [smem:$0x3FAD]  }
0x31: {  	[smem:$0x3FB6] =	sst s10  }
0x32: {  	s10 =	sld [smem:$0x3FB4];
	_ =	sdelay $0x3  }
0x33: {  	p0 =	seq.s32 s10, $0x1;
	s10 =	sld [smem:$0x3FB6];
	_ =	sdelay $0x3  }
0x34: {  	[smem:$0x3FB6] =	sst s10  }
0x35: {  	s10 =	sld [smem:$0x3FB5];
	_ =	sdelay $0x3  }
0x36: {  	p1 =	seq.s32 s10, $0x1;
	s10 =	sld [smem:$0x3FB6];
	_ =	sdelay $0x3  }
0x37: {  	[smem:$0x3FB6] =	sst s10  }
0x38: {  	s10 =	sld [smem:$0x3FB7]  }
0x39: {  	_ = 	snop;
	(pc) =	sbr.ind lr, $3  }
0x3a: {  	_ = 	snop  }
0x3b: {  	_ = 	snop  }
0x3c: {  	p2 =	seq.s32 s10, $0x1;
	s10 =	sld [smem:$0x3FB6]  }
0x3d: {  	_ =	shalt  }
0x3e: {  	_ =	shalt  }
0x3f: {  	_ =	shalt  }
0x40: {  	_ =	shalt  }
0x41: {  	_ =	shalt  }
0x42: {  	_ =	shalt  }
0x43: {  	_ =	shalt  }
0x44: {  	_ =	shalt  }
0x45: {  	_ =	shalt  }
0x46: {  	_ =	shalt  }
0x47: {  	_ =	shalt  }
0x48: {  	_ =	shalt  }
0x49: {  	_ =	shalt  }
0x4a: {  	_ =	shalt  }
0x4b: {  	_ =	shalt  }
0x4c: {  	_ =	shalt  }
0x4d: {  	_ =	shalt  }
0x4e: {  	_ =	shalt  }
0x4f: {  	_ =	shalt  }
0x50: {  	_ =	shalt  }
0x51: {  	_ =	shalt  }
0x52: {  	_ =	shalt  }
0x53: {  	_ =	shalt  }
0x54: {  	_ =	shalt  }
0x55: {  	_ =	shalt  }
0x56: {  	_ =	shalt  }
0x57: {  	_ =	shalt  }
0x58: {  	_ =	shalt  }
0x59: {  	_ =	shalt  }
0x5a: {  	_ =	shalt  }
0x5b: {  	_ =	shalt  }
0x5c: {  	_ =	shalt  }
0x5d: {  	_ =	shalt  }
0x5e: {  	_ =	shalt  }
0x5f: {  	_ =	shalt  }
0x60: {  	_ =	shalt  }
0x61: {  	_ =	shalt  }
0x62: {  	_ =	shalt  }
0x63: {  	_ =	shalt  }
0x64: {  	_ =	shalt  }
0x65: {  	_ =	shalt  }
0x66: {  	_ =	shalt  }
0x67: {  	_ =	shalt  }
0x68: {  	_ =	shalt  }
0x69: {  	_ =	shalt  }
0x6a: {  	_ =	shalt  }
0x6b: {  	_ =	shalt  }
0x6c: {  	_ =	shalt  }
0x6d: {  	_ =	shalt  }
0x6e: {  	_ =	shalt  }
0x6f: {  	_ =	shalt  }
0x70: {  	_ =	shalt  }
0x71: {  	_ =	shalt  }
0x72: {  	_ =	shalt  }
0x73: {  	_ =	shalt  }
0x74: {  	_ =	shalt  }
0x75: {  	_ =	shalt  }
0x76: {  	_ =	shalt  }
0x77: {  	_ =	shalt  }
0x78: {  	_ =	shalt  }
0x79: {  	_ =	shalt  }
0x7a: {  	_ =	shalt  }
0x7b: {  	_ =	shalt  }
0x7c: {  	_ =	shalt  }
0x7d: {  	_ =	shalt  }
0x7e: {  	_ =	shalt  }
0x7f: {  	_ =	shalt  }
0x80: {  	_ =	shalt  }
0x81: {  	_ =	shalt  }
0x82: {  	_ =	shalt  }
0x83: {  	_ =	shalt  }
0x84: {  	_ =	shalt  }
0x85: {  	_ =	shalt  }
0x86: {  	_ =	shalt  }
0x87: {  	_ =	shalt  }
.Lfunc_end0:
.L_simem_size_0:
called_computation.3_lowered:
.L_overlay_start_0:
0x88: {  	s2 =	sld [smem:$0x3FD9]  }
0x89: {  	s3 =	sld [smem:$0x3FFE];
	_ =	sdelay $0x1  }
0x8a: {  	s1 =	srdreg.scid  }
0x8b: {  	s0 =	sand.u32 $0x1, s1  }
0x8c: {  	s16 =	sshll.u32 s0, $0xA;
	s2 =	sadd.s32 s3, s2  }
0x8d: {  	s2 =	sadd.s32 s2, s16  }
0x8e: {  	[smem:$0x3FC2] =	sst s2  }
0x8f: {  	_ = 	snop  }
0x90: {  	(tm) =	ssettm $0x1  }
0x91: {  	s17 =	sld [smem:$0x3FFB];
	_ =	sdelay $0x3  }
0x92: {  	_ =	strace s17  }
0x93: {  	s2 =	sld [smem:$0x3FFC];
	_ =	sdelay $0x3  }
0x94: {  	_ =	strace s2  }
0x95: {  	s2 =	sld [smem:$0x3FFD];
	_ =	sdelay $0x3  }
0x96: {  	_ =	strace s2  }
0x97: {  	_ =	strace $0x8FFFFFFF  }
0x98: {  	s18 =	sld [smem:$0x3FDB];
	_ =	sdelay $0x1  }
0x99: {  	s19 =	simm.s32 $_scs_section_size  }
0x9a: {  	s4 =	simm.s32 $_size__tile_overlayer_lowered;
	s5 =	simm.s32 $_tile_overlayer_lowered  }
0x9b: {  	s22 =	simm.s32 $0x1BFF;
	s21 =	sshll.u32 s5, $0x1;
	s2 =	sadd.s32 s19, s18  }
0x9c: {  	s6 =	simm.s32 $0x0;
	s20 =	sshll.u32 s4, $0x1;
	s4 =	sadd.s32 s21, s2  }
0x9d: {  	[timem:s6], [sflag:s22] =	dma.local [hbm:s4], s20  }
0x9e: {  	_ =	swait.ge [sflag:s22], s20  }
0x9f: {  	s3 =	ssub.s32 $0x0, s20;
	[sflag:s22] =	ssyncset.done $0x0  }
0xa0: {  	[sflag:s22] =	ssyncadd.s32 s3;
	_ =	sdelay $0x1  }
0xa1: {  	s23 =	simm.s32 $0x1B8B  }
0xa2: {  	_ =	swait.ge [sflag:s23], $0x1  }
0xa3: {  	[sflag:s23] =	ssyncset.done $0x0  }
0xa4: {  	s25 =	simm.s32 $0x1B8E;
	s24 =	sld [smem:$0x3FFE];
	[sflag:s23] =	ssyncadd.s32 $0xFFFFFFFF  }
0xa5: {  	s26 =	simm.s32 $execute0_lowered;
	[smem:$0x3FD2] =	sst s25  }
0xa6: {  	s4 =	sshll.u32 s26, $0x1;
	_ =	strace $0x8000004C;
	[dreg:$0x1] =	wrdreg $0xFFFFFFFF  }
0xa7: {  	s28 =	simm.s32 $_size_execute0_lowered;
	s2 =	sadd.s32 s2, s4;
	[dreg:$0x0] =	wrdreg $0x0  }
0xa8: {  	s4 =	sshll.u32 s28, $0x1;
	[dreg:$0x2] =	wrdreg s2  }
0xa9: {  	[dreg:$0x3] =	wrdreg s4  }
0xaa: {  	[dreg:$0x4] =	wrdreg $0xC0  }
0xab: {  	_ =	task [dreg:s6], $0x5FFFF  }
0xac: {  	[dreg:$0x1] =	wrdreg $0xFFFFFFFF  }
0xad: {  	[dreg:$0x0] =	wrdreg $0x60  }
0xae: {  	[dreg:$0x2] =	wrdreg s24  }
0xaf: {  	[dreg:$0x3] =	wrdreg $0x9  }
0xb0: {  	_ =	task.clear_ibuf [dreg:s6], $0x4FFFF;
	_ =	strace $0x9000004C  }
0xb1: {  	s29 =	simm.s32 $0x9;
	_ =	strace $0x8000004E  }
0xb2: {  	_ =	swait.ge [sflag:s29], $0x1  }
0xb3: {  	[sflag:s29] =	ssyncadd.s32 $0xFFFFFFFF  }
0xb4: {  	_ =	strace $0x9000004E  }
0xb5: {  	_ =	sfence  }
0xb6: {  	s30 =	sld [smem:$0x0];
	_ =	sdelay $0x2  }
0xb7: {  	s31 =	sshll.u32 s1, $0xD;
	s1 =	sshrl.u32 s1, $0x2  }
0xb8: {  	s3 =	sand.u32 $0x4000, s31;
	s1 =	sadd.s32 s1, s30  }
0xb9: {  	s0 =	sor.u32 s3, s0;
	s1 =	sshll.u32 s1, $0x11  }
0xba: {  	s0 =	sor.u32 s1, s0  }
0xbb: {  	s0 =	sadd.s32 $0x8F2B, s0  }
0xbc: {  	[sflag:s0] =	ssyncadd.remote.s32 $0x1  }
0xbd: {  	_ =	sfence.sel $0xFFFF  }
0xbe: {  	[dreg:$0x0] =	wrdreg $0xFFFFFFFF;
	(pc) =	sbr.abs _section_cstart, $3  }
0xbf: {  	[dreg:$0x1] =	wrdreg $0xFFFFFFFF  }
0xc0: {  	_ =	task.clear_ibuf [dreg:s6], $0x2FFFF;
	_ =	strace $0x9FFFFFFF  }
0xc1: {  	(tm) =	ssettm $0x7FFFFFFF  }
tec
execute0_lowered:
.L_overlay_start_1:
0x0: {  	(tag) =	ssettag $0x1  }
0x1: {  	s0 =	rddreg [dreg:$0x0]  }
0x2: {  	s2 =	simm.s32 $0x0;
	s11 =	stileid.u32;
	s1 =	srdreg.scid  }
0x3: {  	s15 =	simm.s32 $0x3;
	s16 =	simm.s32 $0x190;
	s17 =	simm.s32 $0x320  }
0x4: {  	s18 =	simm.s32 $0x1C20;
	s19 =	simm.s32 $0x3520;
	s20 =	simm.s32 $0x4E20  }
0x5: {  	s21 =	simm.s32 $0x1;
	s22 =	simm.s32 $0x2;
	s23 =	simm.s32 $0x6A40  }
0x6: {  	s28 =	simm.s32 $0xB540;
	[smem:$0x7FF] =	sst s2;
	s7 =	smul.u32 $0x30D40, s11  }
0x7: {  	s1 =	sand.u32 $0x1, s1;
	s3 =	sadd.s32 $0x6E0600, s0;
	s14 =	smul.u32 $0x186A0, s11  }
0x8: {  	s4 =	sshll.u32 s11, $0x1;
	_ =	strace $0x8000004D;
	s10 =	smul.u32 $0x186A0, s1  }
0x9: {  	s6 =	sor.u32 s1, s4;
	s24 =	ssub.s32 $0x2, s1;
	s1 =	smul.u32 $0xC350, s1  }
0xa: {  	s5 =	sadd.s32 $0x33400, s0;
	s4 =	sadd.s32 $0x67EA00, s0;
	s8 =	smul.u32 $0xC350, s6  }
0xb: {  	s6 =	sadd.s32 $0x2600, s0;
	s0 =	sadd.s32 s7, s0;
	s9 =	sshrl.u32 s24, $0x1  }
0xc: {  	s9 =	ssub.s32 s24, s9;
	s0 =	sadd.s32 s10, s0;
	s31 =	sadd.s32 s1, s14  }
0xd: {  	s8 =	sshrl.u32 s8, $0x3;
	s10 =	sadd.s32 $0xA1E800, s0;
	s11 =	sadd.s32 $0x711400, s0  }
.Ltmp0:
0xe: {  	s30 =	smax.u32 s9, $0x1;
	s12 =	sadd.s32 $0x371600, s0;
	(pc) =	sbr.rel .LBB2_1-.Ltmp0, $4  }
0xf: {  	s13 =	sadd.s32 $0x64200, s0;
	s0 =	sadd.s32 $0x190, s31;
	[dreg:$0x4] =	wrdreg s30  }
0x10: {  	s29 =	simm.s32 $0x0;
	s25 =	sadd.s32 s5, s8;
	[dreg:$0x5] =	wrdreg s0  }
0x11: {  	s24 =	simm.s32 $0x4;
	s26 =	sadd.s32 s6, s8;
	[dreg:$0x2] =	wrdreg s25  }
0x12: {  	[dreg:$0x3] =	wrdreg s26;
	s25 =	simm.s32 $0x8340;
	s26 =	simm.s32 $0x9C40  }
.LBB2_6:
0x13: {  	s29 =	sadd.s32 $0x1, s29;
	s0 =	rddreg [dreg:$0x4]  }
0x14: {  	p0 =	sne.s32 s29, s0  }
.Ltmp1:
0x15: {  	_ = 	snop;
	(pc) =	sbr.rel @!p0 .LBB2_7-.Ltmp1, $1  }
0x16: {  	_ =	sdelay $0x3  }
.LBB2_1:
0x17: {  	s0 =	rddreg [dreg:$0x2]  }
0x18: {  	[tilespmem:s2], [sflag:$0x3] =	stream.linear.gather [hbm4b:s0+s2], $0x190, $0x38;
	[tilespmem:$0xCE40] =	vst v63  }
0x19: {  	_ =	swait.ge [sflag:s15], $0x190  }
0x1a: {  	[sflag:s15] =	ssyncset.done $0x0  }
0x1b: {  	s14 =	rddreg [dreg:$0x3];
	[sflag:s15] =	ssyncadd.s32 $0xFFFFFE70  }
0x1c: {  	[tilespmem:s16], [sflag:$0x3] =	stream.linear.gather [hbm4b:s14+s2], $0x190, $0x38;
	[tilespmem:$0xCE40] =	vst v63  }
0x1d: {  	_ =	swait.ge [sflag:s15], $0x190  }
0x1e: {  	[sflag:s15] =	ssyncset.done $0x0  }
0x1f: {  	[sflag:s15] =	ssyncadd.s32 $0xFFFFFE70  }
0x20: {  	[tilespmem:s17], [sflag:$0x1] =	stream.indirect.gather [hbm4b:s3+s16], $0x10, s2, s16, $0xb8;
	[tilespmem:$0xCE40] =	vst v63  }
0x21: {  	_ = 	snop  }
0x22: {  	[tilespmem:s18], [sflag:$0x1] =	stream.indirect.gather [hbm4b:s3+s16], $0x10, s16, s16, $0xb8;
	[tilespmem:$0xCE40] =	vst v63  }
.Ltmp2:
0x23: {  	_ = 	snop;
	(pc) =	sbr.rel .LBB2_2-.Ltmp2, $4  }
0x24: {  	_ = 	snop  }
0x25: {  	[tilespmem:s19], [sflag:$0x1] =	stream.indirect.gather [hbm4b:s4+s16], $0x10, s2, s16, $0xb8;
	[tilespmem:$0xCE40] =	vst v63  }
0x26: {  	s31 =	simm.s32 $0x0;
	s0 =	simm.s32 $0x0;
	s30 =	rddreg [dreg:$0x5]  }
0x27: {  	[tilespmem:s20], [sflag:$0x1] =	stream.indirect.gather [hbm4b:s4+s16], $0x10, s16, s16, $0xb8;
	[tilespmem:$0xCE40] =	vst v63  }
.LBB2_4:
0x28: {  	_ =	swait.ge [sflag:s22], $0x1900  }
0x29: {  	[sflag:s22] =	ssyncset.done $0x0  }
0x2a: {  	[sflag:s22] =	ssyncadd.s32 $0xFFFFE700  }
0x2b: {  	_ =	swait.ge [sflag:s22], $0x1900  }
0x2c: {  	[sflag:s22] =	ssyncset.done $0x0  }
0x2d: {  	[sflag:s22] =	ssyncadd.s32 $0xFFFFE700  }
0x2e: {  	_ =	swait.ge [sflag:s22], $0x1900  }
0x2f: {  	[sflag:s22] =	ssyncset.done $0x0  }
0x30: {  	[sflag:s22] =	ssyncadd.s32 $0xFFFFE700  }
0x31: {  	_ =	swait.ge [sflag:s22], $0x1900  }
0x32: {  	[sflag:s22] =	ssyncset.done $0x0  }
0x33: {  	s1 =	sadd.s32 s31, s13;
	[sflag:s22] =	ssyncadd.s32 $0xFFFFE700  }
0x34: {  	[hbm4b:s1+s2] =	stream.linear.scatter [tilespmem:s23], [sflag:$0x4], $0x1900, $0x38;
	[tilespmem:$0xCE40] =	vst v63  }
0x35: {  	_ =	swait.ge [sflag:s24], $0x1900  }
0x36: {  	[sflag:s24] =	ssyncset.done $0x0  }
0x37: {  	s8 =	sadd.s32 s31, s12;
	[sflag:s24] =	ssyncadd.s32 $0xFFFFE700  }
0x38: {  	[hbm4b:s8+s2] =	stream.linear.scatter [tilespmem:s25], [sflag:$0x4], $0x1900, $0x38;
	[tilespmem:$0xCE40] =	vst v63  }
0x39: {  	_ =	swait.ge [sflag:s24], $0x1900  }
0x3a: {  	[sflag:s24] =	ssyncset.done $0x0  }
0x3b: {  	s9 =	sadd.s32 s31, s11;
	[sflag:s24] =	ssyncadd.s32 $0xFFFFE700  }
0x3c: {  	[hbm4b:s9+s2] =	stream.linear.scatter [tilespmem:s26], [sflag:$0x4], $0x1900, $0x38;
	[tilespmem:$0xCE40] =	vst v63  }
0x3d: {  	_ =	swait.ge [sflag:s24], $0x1900  }
0x3e: {  	[sflag:s24] =	ssyncset.done $0x0  }
0x3f: {  	s14 =	sadd.s32 s31, s10;
	s1 =	simm.s32 $0x3;
	[sflag:s24] =	ssyncadd.s32 $0xFFFFE700  }
0x40: {  	[hbm4b:s14+s2] =	stream.linear.scatter [tilespmem:s28], [sflag:$0x3], $0x1900, $0x38;
	[tilespmem:$0xCE40] =	vst v63  }
.LBB2_5:
0x41: {  	s31 =	sadd.s32 $0x320, s31  }
0x42: {  	p0 =	sne.s32 s31, $0x186A0  }
.Ltmp3:
0x43: {  	_ = 	snop;
	(pc) =	sbr.rel @!p0 .LBB2_6-.Ltmp3, $4  }
0x44: {  	_ = 	snop  }
0x45: {  	_ =	swait.ge [sflag:s1], $0x1900  }
0x46: {  	[sflag:s1] =	ssyncset.done $0x0  }
0x47: {  	s30 =	sadd.s32 $0x190, s30;
	s0 =	sadd.s32 $0x1, s0;
	[sflag:s1] =	ssyncadd.s32 $0xFFFFE700  }
.LBB2_2:
0x48: {  	p0 =	seq.s32 s31, $0x18380  }
0x49: {  	s1 =	sand.u32 @!p0 $0x1, s0  }
0x4a: {  	p1 =	seq.s32 @!p0 s1, $0x1  }
0x4b: {  	p2 =	por !p1, p0  }
0x4c: {  	s1 =	sshrl.u32 @!p2 s30, $0x3  }
0x4d: {  	s8 =	simm.s32 @!p2 $0x0;
	s7 =	sadd.s32 @!p2 s5, s1  }
0x4e: {  	[tilespmem:s8], [sflag:$0x4] =	stream.linear.gather @!p2 [hbm4b:s7+s8], $0x190, $0x38;
	[tilespmem:$0xCE40] =	vst v63  }
0x4f: {  	s7 =	simm.s32 @!p2 $0x4  }
0x50: {  	_ =	swait.ge @!p2 [sflag:s7], $0x190  }
0x51: {  	[sflag:s7] =	ssyncset.done @!p2 $0x0  }
0x52: {  	s9 =	simm.s32 @!p2 $0x190;
	s1 =	sadd.s32 @!p2 s6, s1;
	[sflag:s7] =	ssyncadd.s32 @!p2 $0xFFFFFE70  }
0x53: {  	[tilespmem:s9], [sflag:$0x4] =	stream.linear.gather @!p2 [hbm4b:s1+s8], $0x190, $0x38;
	[tilespmem:$0xCE40] =	vst v63  }
0x54: {  	_ =	swait.ge @!p2 [sflag:s7], $0x190  }
0x55: {  	[sflag:s7] =	ssyncset.done @!p2 $0x0  }
0x56: {  	s1 =	simm.s32 @!p2 $0x320;
	[sflag:s7] =	ssyncadd.s32 @!p2 $0xFFFFFE70  }
0x57: {  	[tilespmem:s1], [sflag:$0x1] =	stream.indirect.gather @!p2 [hbm4b:s3+s9], $0x10, s8, s9, $0xb8;
	[tilespmem:$0xCE40] =	vst v63  }
0x58: {  	s1 =	simm.s32 @!p2 $0x1C20  }
0x59: {  	[tilespmem:s1], [sflag:$0x1] =	stream.indirect.gather @!p2 [hbm4b:s3+s9], $0x10, s9, s9, $0xb8;
	[tilespmem:$0xCE40] =	vst v63  }
0x5a: {  	s1 =	simm.s32 @!p2 $0x3520  }
0x5b: {  	[tilespmem:s1], [sflag:$0x1] =	stream.indirect.gather @!p2 [hbm4b:s4+s9], $0x10, s8, s9, $0xb8;
	[tilespmem:$0xCE40] =	vst v63  }
0x5c: {  	s1 =	simm.s32 @!p2 $0x4E20  }
0x5d: {  	[tilespmem:s1], [sflag:$0x1] =	stream.indirect.gather @!p2 [hbm4b:s4+s9], $0x10, s9, s9, $0xb8;
	[tilespmem:$0xCE40] =	vst v63  }
0x5e: {  	p2 =	por p1, p0  }
0x5f: {  	s1 =	sshrl.u32 @!p2 s30, $0x3  }
0x60: {  	s8 =	simm.s32 @!p2 $0x0;
	s9 =	simm.s32 @!p2 $0x6720;
	s7 =	sadd.s32 @!p2 s5, s1  }
0x61: {  	[tilespmem:s9], [sflag:$0x4] =	stream.linear.gather @!p2 [hbm4b:s7+s8], $0x190, $0x38;
	[tilespmem:$0xCE40] =	vst v63  }
0x62: {  	s7 =	simm.s32 @!p2 $0x4  }
0x63: {  	_ =	swait.ge @!p2 [sflag:s7], $0x190  }
0x64: {  	[sflag:s7] =	ssyncset.done @!p2 $0x0  }
0x65: {  	s14 =	simm.s32 @!p2 $0x68B0;
	s1 =	sadd.s32 @!p2 s6, s1;
	[sflag:s7] =	ssyncadd.s32 @!p2 $0xFFFFFE70  }
0x66: {  	[tilespmem:s14], [sflag:$0x4] =	stream.linear.gather @!p2 [hbm4b:s1+s8], $0x190, $0x38;
	[tilespmem:$0xCE40] =	vst v63  }
0x67: {  	_ =	swait.ge @!p2 [sflag:s7], $0x190  }
0x68: {  	[sflag:s7] =	ssyncset.done @!p2 $0x0  }
0x69: {  	s1 =	simm.s32 @!p2 $0x190;
	[sflag:s7] =	ssyncadd.s32 @!p2 $0xFFFFFE70;
	s7 =	simm.s32 @!p2 $0x6A40  }
0x6a: {  	[tilespmem:s7], [sflag:$0x2] =	stream.indirect.gather @!p2 [hbm4b:s3+s1], $0x10, s9, s1, $0xb8;
	[tilespmem:$0xCE40] =	vst v63  }
0x6b: {  	p0 =	por p0, !p1;
	s7 =	simm.s32 @!p2 $0x8340  }
0x6c: {  	[tilespmem:s7], [sflag:$0x2] =	stream.indirect.gather @!p2 [hbm4b:s3+s1], $0x10, s14, s1, $0xb8;
	[tilespmem:$0xCE40] =	vst v63  }
.Ltmp4:
0x6d: {  	_ = 	snop;
	(pc) =	sbr.rel @!p0 .LBB2_4-.Ltmp4, $4  }
0x6e: {  	s7 =	simm.s32 @!p2 $0x9C40  }
0x6f: {  	[tilespmem:s7], [sflag:$0x2] =	stream.indirect.gather @!p2 [hbm4b:s4+s1], $0x10, s9, s1, $0xb8;
	[tilespmem:$0xCE40] =	vst v63  }
0x70: {  	s7 =	simm.s32 @!p2 $0xB540  }
0x71: {  	[tilespmem:s7], [sflag:$0x2] =	stream.indirect.gather @!p2 [hbm4b:s4+s1], $0x10, s14, s1, $0xb8;
	[tilespmem:$0xCE40] =	vst v63  }
0x72: {  	_ =	swait.ge [sflag:s21], $0x1900  }
0x73: {  	[sflag:s21] =	ssyncset.done $0x0  }
0x74: {  	[sflag:s21] =	ssyncadd.s32 $0xFFFFE700  }
0x75: {  	_ =	swait.ge [sflag:s21], $0x1900  }
0x76: {  	[sflag:s21] =	ssyncset.done $0x0  }
0x77: {  	[sflag:s21] =	ssyncadd.s32 $0xFFFFE700  }
0x78: {  	_ =	swait.ge [sflag:s21], $0x1900  }
0x79: {  	[sflag:s21] =	ssyncset.done $0x0  }
0x7a: {  	[sflag:s21] =	ssyncadd.s32 $0xFFFFE700  }
0x7b: {  	_ =	swait.ge [sflag:s21], $0x1900  }
0x7c: {  	[sflag:s21] =	ssyncset.done $0x0  }
0x7d: {  	s1 =	sadd.s32 s31, s13;
	[sflag:s21] =	ssyncadd.s32 $0xFFFFE700  }
0x7e: {  	[hbm4b:s1+s2] =	stream.linear.scatter [tilespmem:s17], [sflag:$0x4], $0x1900, $0x38;
	[tilespmem:$0xCE40] =	vst v63  }
0x7f: {  	s1 =	simm.s32 $0x4  }
0x80: {  	_ =	swait.ge [sflag:s1], $0x1900  }
0x81: {  	[sflag:s1] =	ssyncset.done $0x0  }
0x82: {  	s7 =	sadd.s32 s31, s12;
	[sflag:s1] =	ssyncadd.s32 $0xFFFFE700  }
0x83: {  	[hbm4b:s7+s2] =	stream.linear.scatter [tilespmem:s18], [sflag:$0x4], $0x1900, $0x38;
	[tilespmem:$0xCE40] =	vst v63  }
0x84: {  	_ =	swait.ge [sflag:s1], $0x1900  }
0x85: {  	[sflag:s1] =	ssyncset.done $0x0  }
0x86: {  	s9 =	sadd.s32 s31, s11;
	[sflag:s1] =	ssyncadd.s32 $0xFFFFE700  }
0x87: {  	[hbm4b:s9+s2] =	stream.linear.scatter [tilespmem:s19], [sflag:$0x4], $0x1900, $0x38;
	[tilespmem:$0xCE40] =	vst v63  }
.Ltmp5:
0x88: {  	_ = 	snop;
	(pc) =	sbr.rel .LBB2_5-.Ltmp5, $4  }
0x89: {  	_ =	swait.ge [sflag:s1], $0x1900  }
0x8a: {  	[sflag:s1] =	ssyncset.done $0x0  }
0x8b: {  	s14 =	sadd.s32 s31, s10;
	[sflag:s1] =	ssyncadd.s32 $0xFFFFE700  }
0x8c: {  	[hbm4b:s14+s2] =	stream.linear.scatter [tilespmem:s20], [sflag:$0x4], $0x1900, $0x38;
	[tilespmem:$0xCE40] =	vst v63  }
.LBB2_7:
0x8d: {  	_ =	sfence.sel $0x180000  }
0x8e: {  	[bflag:$0x0] =	sbarrier.arrive $0xFFFF  }
0x8f: {  	_ =	strace $0x9000004D  }
0x90: {  	s0 =	stileid.u32;
	[bflag:$0x2] =	sbarrier.arrive $0xFFFF  }
0x91: {  	p0 =	sne.s32 s0, $0x0;
	s0 =	rddreg [dreg:$0x1]  }
0x92: {  	s0 =	sadd.s32 @!p0 $0x100000, s0  }
0x93: {  	[sflag:s0] =	ssyncadd.tile.s32 @!p0 $0x1;
	_ =	shalt  }
.Lfunc_end2:
_tile_overlayer_lowered:
.L_overlay_start_2:
0x94: {  	(tag) =	ssettag $0x2  }
0x95: {  	s0 =	rddreg [dreg:$0x0];
	s2 =	stileid.u32  }
0x96: {  	s1 =	rddreg [dreg:$0x1];
	p0 =	sne.s32 s2, $0x0  }
0x97: {  	s3 =	rddreg [dreg:$0x2];
	[bflag:$0x3] =	sbarrier.arrive $0xFFFF;
	s2 =	simm.s32 @!p0 $0x1C03  }
0x98: {  	[timem:s3], [sflag:s2] =	dma.local @!p0 [hbm:s0], s1  }
0x99: {  	s0 =	simm.s32 @!p0 $0x3  }
0x9a: {  	_ =	swait.ge @!p0 [sflag:s0], s1  }
0x9b: {  	s1 =	ssub.s32 @!p0 $0x0, s1;
	[sflag:s0] =	ssyncset.done @!p0 $0x0  }
0x9c: {  	[sflag:s0] =	ssyncadd.s32 @!p0 s1  }
0x9d: {  	[bflag:$0x3] =	sbarrier.arrive $0xFFFF  }
0x9e: {  	_ =	shalt  }

// kernel: kernel.8.cloned.1.call-start
scs
__scs_entry_jumppad:
0x0: {  	(pc) =	sbr.rel $0x88, $3  }
0x1: {  	(tag) =	ssettag $0x0;
	lr =	simm.s32 $0x1  }
0x2: {  	[smem:$0x3F9B] =	sst lr;
	_ =	strace $0xD0000000  }
0x3: {  	_ = 	snop  }
0x4: {  	_ = 	snop  }
0x5: {  	_ = 	snop  }
0x6: {  	_ = 	snop  }
0x7: {  	_ = 	snop  }
__scs_overlays_trampoline_lowered:
0x8: {  	[smem:$0x3FAA] =	sst s0  }
0x9: {  	[smem:$0x3FAB] =	sst s1  }
0xa: {  	[smem:$0x3FAC] =	sst s2  }
0xb: {  	[smem:$0x3FAD] =	sst s3  }
0xc: {  	[smem:$0x3FAE] =	sst s4  }
0xd: {  	[smem:$0x3FAF] =	sst s5  }
0xe: {  	[smem:$0x3FB0] =	sst s6  }
0xf: {  	[smem:$0x3FB1] =	sst s7  }
0x10: {  	[smem:$0x3FB2] =	sst s8  }
0x11: {  	[smem:$0x3FB3] =	sst s9;
	s0 =	simm.s32 @!p0 $0x0  }
0x12: {  	s1 =	sld [smem:$0x3F99];
	s0 =	simm.s32 @p0 $0x1  }
0x13: {  	[smem:$0x3FB4] =	sst s0;
	s0 =	simm.s32 @!p1 $0x0  }
0x14: {  	s2 =	sld [smem:$0x3F98];
	s0 =	simm.s32 @p1 $0x1  }
0x15: {  	[smem:$0x3FB5] =	sst s0;
	s0 =	simm.s32 @!p2 $0x0  }
0x16: {  	s3 =	sld [smem:$0x3FDB];
	s0 =	simm.s32 @p2 $0x1  }
0x17: {  	s4 =	simm.s32 $0x1BF5;
	[smem:$0x3FB7] =	sst s0  }
0x18: {  	s0 =	sld [smem:$0x3F9A];
	_ =	swait.ge [sflag:s4], $0x0  }
0x19: {  	s7 =	sld [smem:$0x3F9B]  }
0x1a: {  	s8 =	sadd.s32 $0xFFFFE003, lr  }
0x1b: {  	s9 =	sadd.s32 $0xFFFFFEF7, lr;
	s5 =	simm.s32 $0xFFFFFFFF;
	p2 =	slt.u32 s8, $0xFFFFF086  }
0x1c: {  	p1 =	slt.u32 s9, $0xF7A;
	s5 =	simm.s32 @!p2 $0x0  }
0x1d: {  	s5 =	simm.s32 @p1 $0x1;
	p0 =	seq.s32 s7, s2  }
0x1e: {  	s7 =	smul.u32 @!p0 $0xF7A, s2;
	p2 =	seq.s32 @!p0 s5, $0x0  }
0x1f: {  	s9 =	smul.u32 $0xF7A, s1;
	s8 =	simm.s32 @!p0 $0x1BF5;
	p2 =	por !p2, p0  }
0x20: {  	[sflag:s8] =	ssyncset.s32 @!p0 $0xFFFFF086;
	s6 =	sadd.s32 @!p0 s3, s7;
	s7 =	simm.s32 @!p0 $0x108  }
0x21: {  	s3 =	sadd.s32 s3, s9;
	s6 =	sadd.s32 @!p0 $0x88, s6;
	s7 =	simm.s32 @p2 $0x1082  }
0x22: {  	[simem:s7], [sflag:s8] =	dma.local @!p0 [hbm:s6], $0xF7A  }
0x23: {  	s9 =	sor.u32 $0xD0000000, s2;
	s6 =	simm.s32 $0x108;
	_ =	swait.ge @!p0 [sflag:s8], $0x0  }
0x24: {  	s3 =	sadd.s32 $0x88, s3;
	s6 =	simm.s32 @!p1 $0x1082;
	[sflag:s4] =	ssyncset.s32 $0xFFFFF086  }
0x25: {  	[simem:s6], [sflag:s4] =	dma.local [hbm:s3], $0xF7A  }
0x26: {  	[smem:$0x3F9B] =	sst s1;
	(tag) =	ssettag s2;
	_ =	strace s9  }
0x27: {  	s1 =	sld [smem:$0x3FAB]  }
0x28: {  	s2 =	sld [smem:$0x3FAC]  }
0x29: {  	s4 =	sld [smem:$0x3FAE]  }
0x2a: {  	p0 =	seq.s32 s5, $0x0;
	s5 =	sld [smem:$0x3FAF]  }
0x2b: {  	s6 =	sld [smem:$0x3FB0]  }
0x2c: {  	s7 =	sld [smem:$0x3FB1]  }
0x2d: {  	s3 =	simm.s32 $0x108;
	s8 =	sld [smem:$0x3FB2]  }
0x2e: {  	s3 =	simm.s32 @!p0 $0x1082;
	s9 =	sld [smem:$0x3FB3]  }
0x2f: {  	lr =	sadd.s32 s0, s3;
	s0 =	sld [smem:$0x3FAA]  }
0x30: {  	s3 =	sld [smem:$0x3FAD]  }
0x31: {  	[smem:$0x3FB6] =	sst s10  }
0x32: {  	s10 =	sld [smem:$0x3FB4];
	_ =	sdelay $0x3  }
0x33: {  	p0 =	seq.s32 s10, $0x1;
	s10 =	sld [smem:$0x3FB6];
	_ =	sdelay $0x3  }
0x34: {  	[smem:$0x3FB6] =	sst s10  }
0x35: {  	s10 =	sld [smem:$0x3FB5];
	_ =	sdelay $0x3  }
0x36: {  	p1 =	seq.s32 s10, $0x1;
	s10 =	sld [smem:$0x3FB6];
	_ =	sdelay $0x3  }
0x37: {  	[smem:$0x3FB6] =	sst s10  }
0x38: {  	s10 =	sld [smem:$0x3FB7]  }
0x39: {  	_ = 	snop;
	(pc) =	sbr.ind lr, $3  }
0x3a: {  	_ = 	snop  }
0x3b: {  	_ = 	snop  }
0x3c: {  	p2 =	seq.s32 s10, $0x1;
	s10 =	sld [smem:$0x3FB6]  }
0x3d: {  	_ =	shalt  }
0x3e: {  	_ =	shalt  }
0x3f: {  	_ =	shalt  }
0x40: {  	_ =	shalt  }
0x41: {  	_ =	shalt  }
0x42: {  	_ =	shalt  }
0x43: {  	_ =	shalt  }
0x44: {  	_ =	shalt  }
0x45: {  	_ =	shalt  }
0x46: {  	_ =	shalt  }
0x47: {  	_ =	shalt  }
0x48: {  	_ =	shalt  }
0x49: {  	_ =	shalt  }
0x4a: {  	_ =	shalt  }
0x4b: {  	_ =	shalt  }
0x4c: {  	_ =	shalt  }
0x4d: {  	_ =	shalt  }
0x4e: {  	_ =	shalt  }
0x4f: {  	_ =	shalt  }
0x50: {  	_ =	shalt  }
0x51: {  	_ =	shalt  }
0x52: {  	_ =	shalt  }
0x53: {  	_ =	shalt  }
0x54: {  	_ =	shalt  }
0x55: {  	_ =	shalt  }
0x56: {  	_ =	shalt  }
0x57: {  	_ =	shalt  }
0x58: {  	_ =	shalt  }
0x59: {  	_ =	shalt  }
0x5a: {  	_ =	shalt  }
0x5b: {  	_ =	shalt  }
0x5c: {  	_ =	shalt  }
0x5d: {  	_ =	shalt  }
0x5e: {  	_ =	shalt  }
0x5f: {  	_ =	shalt  }
0x60: {  	_ =	shalt  }
0x61: {  	_ =	shalt  }
0x62: {  	_ =	shalt  }
0x63: {  	_ =	shalt  }
0x64: {  	_ =	shalt  }
0x65: {  	_ =	shalt  }
0x66: {  	_ =	shalt  }
0x67: {  	_ =	shalt  }
0x68: {  	_ =	shalt  }
0x69: {  	_ =	shalt  }
0x6a: {  	_ =	shalt  }
0x6b: {  	_ =	shalt  }
0x6c: {  	_ =	shalt  }
0x6d: {  	_ =	shalt  }
0x6e: {  	_ =	shalt  }
0x6f: {  	_ =	shalt  }
0x70: {  	_ =	shalt  }
0x71: {  	_ =	shalt  }
0x72: {  	_ =	shalt  }
0x73: {  	_ =	shalt  }
0x74: {  	_ =	shalt  }
0x75: {  	_ =	shalt  }
0x76: {  	_ =	shalt  }
0x77: {  	_ =	shalt  }
0x78: {  	_ =	shalt  }
0x79: {  	_ =	shalt  }
0x7a: {  	_ =	shalt  }
0x7b: {  	_ =	shalt  }
0x7c: {  	_ =	shalt  }
0x7d: {  	_ =	shalt  }
0x7e: {  	_ =	shalt  }
0x7f: {  	_ =	shalt  }
0x80: {  	_ =	shalt  }
0x81: {  	_ =	shalt  }
0x82: {  	_ =	shalt  }
0x83: {  	_ =	shalt  }
0x84: {  	_ =	shalt  }
0x85: {  	_ =	shalt  }
0x86: {  	_ =	shalt  }
0x87: {  	_ =	shalt  }
.Lfunc_end0:
.L_simem_size_0:
called_computation.1_lowered:
.L_overlay_start_0:
0x88: {  	s2 =	sld [smem:$0x3FD9]  }
0x89: {  	s3 =	sld [smem:$0x3FFE];
	_ =	sdelay $0x1  }
0x8a: {  	s1 =	srdreg.scid  }
0x8b: {  	s0 =	sand.u32 $0x1, s1  }
0x8c: {  	s16 =	sshll.u32 s0, $0xA;
	s2 =	sadd.s32 s3, s2  }
0x8d: {  	s2 =	sadd.s32 s2, s16  }
0x8e: {  	[smem:$0x3FC2] =	sst s2  }
0x8f: {  	_ = 	snop  }
0x90: {  	(tm) =	ssettm $0x1  }
0x91: {  	s17 =	sld [smem:$0x3FFB];
	_ =	sdelay $0x3  }
0x92: {  	_ =	strace s17  }
0x93: {  	s2 =	sld [smem:$0x3FFC];
	_ =	sdelay $0x3  }
0x94: {  	_ =	strace s2  }
0x95: {  	s2 =	sld [smem:$0x3FFD];
	_ =	sdelay $0x3  }
0x96: {  	_ =	strace s2  }
0x97: {  	_ =	strace $0x8FFFFFFF  }
0x98: {  	s18 =	sld [smem:$0x3FDB];
	_ =	sdelay $0x1  }
0x99: {  	s19 =	simm.s32 $_scs_section_size  }
0x9a: {  	s4 =	simm.s32 $_size__tile_overlayer_lowered;
	s5 =	simm.s32 $_tile_overlayer_lowered  }
0x9b: {  	s22 =	simm.s32 $0x1BFF;
	s21 =	sshll.u32 s5, $0x1;
	s2 =	sadd.s32 s19, s18  }
0x9c: {  	s6 =	simm.s32 $0x0;
	s20 =	sshll.u32 s4, $0x1;
	s4 =	sadd.s32 s21, s2  }
0x9d: {  	[timem:s6], [sflag:s22] =	dma.local [hbm:s4], s20  }
0x9e: {  	_ =	swait.ge [sflag:s22], s20  }
0x9f: {  	s3 =	ssub.s32 $0x0, s20;
	[sflag:s22] =	ssyncset.done $0x0  }
0xa0: {  	[sflag:s22] =	ssyncadd.s32 s3;
	_ =	sdelay $0x1  }
0xa1: {  	s23 =	simm.s32 $0x1B8B  }
0xa2: {  	_ =	swait.ge [sflag:s23], $0x1  }
0xa3: {  	[sflag:s23] =	ssyncset.done $0x0  }
0xa4: {  	s25 =	simm.s32 $0x1B8E;
	s24 =	sld [smem:$0x3FFE];
	[sflag:s23] =	ssyncadd.s32 $0xFFFFFFFF  }
0xa5: {  	s26 =	simm.s32 $execute0_lowered;
	[smem:$0x3FD2] =	sst s25  }
0xa6: {  	s4 =	sshll.u32 s26, $0x1;
	_ =	strace $0x80000046;
	[dreg:$0x1] =	wrdreg $0xFFFFFFFF  }
0xa7: {  	s28 =	simm.s32 $_size_execute0_lowered;
	s2 =	sadd.s32 s2, s4;
	[dreg:$0x0] =	wrdreg $0x0  }
0xa8: {  	s4 =	sshll.u32 s28, $0x1;
	[dreg:$0x2] =	wrdreg s2  }
0xa9: {  	[dreg:$0x3] =	wrdreg s4  }
0xaa: {  	[dreg:$0x4] =	wrdreg $0xC0  }
0xab: {  	_ =	task [dreg:s6], $0x5FFFF  }
0xac: {  	[dreg:$0x1] =	wrdreg $0xFFFFFFFF  }
0xad: {  	[dreg:$0x0] =	wrdreg $0x60  }
0xae: {  	[dreg:$0x2] =	wrdreg s24  }
0xaf: {  	[dreg:$0x3] =	wrdreg $0x46500  }
0xb0: {  	[dreg:$0x4] =	wrdreg $0x9  }
0xb1: {  	_ =	task.clear_ibuf [dreg:s6], $0x5FFFF;
	_ =	strace $0x90000046  }
0xb2: {  	s29 =	simm.s32 $0x9;
	_ =	strace $0x80000048  }
0xb3: {  	_ =	swait.ge [sflag:s29], $0x1  }
0xb4: {  	[sflag:s29] =	ssyncadd.s32 $0xFFFFFFFF  }
0xb5: {  	_ =	strace $0x90000048  }
0xb6: {  	_ =	sfence  }
0xb7: {  	s30 =	sld [smem:$0x0];
	_ =	sdelay $0x2  }
0xb8: {  	s31 =	sshll.u32 s1, $0xD;
	s1 =	sshrl.u32 s1, $0x2  }
0xb9: {  	s3 =	sand.u32 $0x4000, s31;
	s1 =	sadd.s32 s1, s30  }
0xba: {  	s0 =	sor.u32 s3, s0;
	s1 =	sshll.u32 s1, $0x11  }
0xbb: {  	s0 =	sor.u32 s1, s0  }
0xbc: {  	s0 =	sadd.s32 $0x8F2B, s0  }
0xbd: {  	[sflag:s0] =	ssyncadd.remote.s32 $0x1  }
0xbe: {  	_ =	sfence.sel $0xFFFF  }
0xbf: {  	[dreg:$0x0] =	wrdreg $0xFFFFFFFF;
	(pc) =	sbr.abs _section_cstart, $3  }
0xc0: {  	[dreg:$0x1] =	wrdreg $0xFFFFFFFF  }
0xc1: {  	_ =	task.clear_ibuf [dreg:s6], $0x2FFFF;
	_ =	strace $0x9FFFFFFF  }
0xc2: {  	(tm) =	ssettm $0x7FFFFFFF  }
0xc3: {  	_ =	shalt  }
tec
execute0_lowered:
.L_overlay_start_1:
0x0: {  	(tag) =	ssettag $0x1  }
0x1: {  	s6 =	rddreg [dreg:$0x0]  }
0x2: {  	s2 =	rddreg [dreg:$0x1]  }
0x3: {  	s0 =	rddreg [dreg:$0x2];
	s1 =	stileid.u32  }
0x4: {  	s3 =	simm.s32 $0x0;
	s5 =	srdreg.scid;
	s4 =	smul.u32 $0x30D4, s1  }
0x5: {  	s16 =	simm.s32 $0x3E8;
	s17 =	simm.s32 $0x7D0;
	s7 =	smul.u32 $0x186A0, s1  }
0x6: {  	s18 =	simm.s32 $0x0;
	[smem:$0x7FF] =	sst s3;
	s8 =	smul.u32 $0x30D40, s1  }
0x7: {  	s14 =	sand.u32 $0x1, s5;
	s5 =	sadd.s32 $0x6E0600, s6;
	s31 =	sshll.u32 s1, $0x6  }
0x8: {  	_ =	strace $0x80000047;
	s9 =	ssub.s32 $0x2, s14;
	p0 =	sne.s32 s14, $0x0  }
0x9: {  	s12 =	sadd.s32 s4, s6;
	s4 =	sshrl.u32 s7, $0x3;
	s13 =	sadd.s32 s8, s6  }
.Ltmp0:
0xa: {  	s10 =	sshrl.u32 s9, $0x1;
	s15 =	sadd.s32 s7, s2;
	(pc) =	sbr.rel .LBB2_1-.Ltmp0, $4  }
0xb: {  	s8 =	sor.u32 $0x1C01, s31;
	s30 =	sadd.s32 s4, s6;
	s6 =	sadd.s32 $0x6AF800, s6  }
0xc: {  	s9 =	ssub.s32 s9, s10;
	s10 =	sadd.s32 $0x64200, s13;
	s11 =	sadd.s32 $0x2600, s12  }
0xd: {  	s12 =	sadd.s32 $0x33400, s12;
	s13 =	sadd.s32 $0x186C600, s13;
	s14 =	sshrl.u32 s15, $0x3  }
0xe: {  	s15 =	simm.s32 $0x1;
	s7 =	sadd.s32 $0x67EA00, s30;
	s9 =	smax.u32 s9, $0x1  }
.LBB2_7:
0xf: {  	s21 =	sadd.s32 s20, s12;
	[sflag:s15] =	ssyncadd.s32 $0xFFFFC180  }
0x10: {  	[tilespmem:s3], [sflag:$0x1] =	stream.linear.gather [hbm4b:s21+s3], $0x3E8, $0x38;
	[tilespmem:$0x1CCF0] =	vst v63  }
0x11: {  	_ =	swait.ge [sflag:s15], $0x3E8  }
0x12: {  	[sflag:s15] =	ssyncset.done $0x0  }
0x13: {  	s31 =	sadd.s32 s20, s11;
	[sflag:s15] =	ssyncadd.s32 $0xFFFFFC18  }
0x14: {  	[tilespmem:s16], [sflag:$0x1] =	stream.linear.gather [hbm4b:s31+s3], $0x3E8, $0x38;
	[tilespmem:$0x1CCF0] =	vst v63  }
0x15: {  	_ =	swait.ge [sflag:s15], $0x3E8  }
0x16: {  	[sflag:s15] =	ssyncset.done $0x0  }
0x17: {  	[sflag:s15] =	ssyncadd.s32 $0xFFFFFC18  }
0x18: {  	[tilespmem:s17], [sflag:$0x1] =	stream.linear.gather [hbm4b:s19+s3], $0x3E80, $0x38;
	[tilespmem:$0x1CCF0] =	vst v63  }
0x19: {  	_ =	swait.ge [sflag:s15], $0x3E80  }
0x1a: {  	[sflag:s15] =	ssyncset.done $0x0  }
0x1b: {  	[sflag:s15] =	ssyncadd.s32 $0xFFFFC180  }
0x1c: {  	[spmem:s2] =	stream.indirect.scatter.add.f32 [tilespmem:s17], [sflag:$0x1], $0x10, s3, s16, $0xb8;
	[tilespmem:$0x1CCF0] =	vst v63  }
0x1d: {  	_ =	swait.ge [sflag:s15], $0x3E80  }
0x1e: {  	[sflag:s15] =	ssyncset.done $0x0  }
0x1f: {  	[sflag:s15] =	ssyncadd.s32 $0xFFFFC180  }
0x20: {  	[spmem:s2] =	stream.indirect.scatter.add.f32 [tilespmem:s17], [sflag:$0x1], $0x10, s16, s16, $0xb8;
	[tilespmem:$0x1CCF0] =	vst v63  }
0x21: {  	_ =	swait.ge [sflag:s15], $0x3E80  }
0x22: {  	[sflag:s15] =	ssyncset.done $0x0  }
0x23: {  	s19 =	smov.u32 s6;
	[sflag:s15] =	ssyncadd.s32 $0xFFFFC180  }
.LBB2_8:
0x24: {  	s18 =	sadd.s32 $0x1, s18  }
0x25: {  	p1 =	sne.s32 s18, s9  }
.Ltmp1:
0x26: {  	s19 =	sadd.s32 s19, s4;
	[bflag:$0x0] =	sbarrier.arrive $0xFFFF;
	(pc) =	sbr.rel @!p1 .LBB2_9-.Ltmp1, $4  }
0x27: {  	[hbm:s19], [sflag:s8] =	dma.local [spmem:s14], $0x30D4  }
0x28: {  	_ =	swait.ge [sflag:s15], $0x30D4  }
0x29: {  	[sflag:s15] =	ssyncset.done $0x0  }
0x2a: {  	[sflag:s15] =	ssyncadd.s32 $0xFFFFCF2C  }
.LBB2_1:
0x2b: {  	[spmem:s14], [sflag:s8] =	dma.local [hbm:s7], $0x30D4  }
.Ltmp2:
0x2c: {  	_ =	swait.ge [sflag:s15], $0x30D4;
	(pc) =	sbr.rel @p0 .LBB2_5-.Ltmp2, $4  }
0x2d: {  	[sflag:s15] =	ssyncset.done $0x0  }
0x2e: {  	[sflag:s15] =	ssyncadd.s32 $0xFFFFCF2C  }
0x2f: {  	[bflag:$0x0] =	sbarrier.arrive $0xFFFF  }
0x30: {  	s19 =	sadd.s32 $0x0, s12  }
0x31: {  	[tilespmem:s3], [sflag:$0x1] =	stream.linear.gather [hbm4b:s19+s3], $0x3E8, $0x38;
	[tilespmem:$0x1CCF0] =	vst v63  }
0x32: {  	_ =	swait.ge [sflag:s15], $0x3E8  }
0x33: {  	[sflag:s15] =	ssyncset.done $0x0  }
0x34: {  	s31 =	sadd.s32 $0x0, s11;
	[sflag:s15] =	ssyncadd.s32 $0xFFFFFC18  }
0x35: {  	[tilespmem:s16], [sflag:$0x1] =	stream.linear.gather [hbm4b:s31+s3], $0x3E8, $0x38;
	[tilespmem:$0x1CCF0] =	vst v63  }
0x36: {  	_ =	swait.ge [sflag:s15], $0x3E8  }
0x37: {  	[sflag:s15] =	ssyncset.done $0x0  }
0x38: {  	[sflag:s15] =	ssyncadd.s32 $0xFFFFFC18  }
0x39: {  	[tilespmem:s17], [sflag:$0x1] =	stream.linear.gather [hbm4b:s13+s3], $0x3E80, $0x38;
	[tilespmem:$0x1CCF0] =	vst v63  }
0x3a: {  	_ =	swait.ge [sflag:s15], $0x3E80  }
0x3b: {  	[sflag:s15] =	ssyncset.done $0x0  }
0x3c: {  	[sflag:s15] =	ssyncadd.s32 $0xFFFFC180  }
0x3d: {  	[spmem:s2] =	stream.indirect.scatter.add.f32 [tilespmem:s17], [sflag:$0x1], $0x10, s3, s16, $0xb8;
	[tilespmem:$0x1CCF0] =	vst v63  }
0x3e: {  	_ =	swait.ge [sflag:s15], $0x3E80  }
0x3f: {  	[sflag:s15] =	ssyncset.done $0x0  }
0x40: {  	[sflag:s15] =	ssyncadd.s32 $0xFFFFC180  }
0x41: {  	[spmem:s2] =	stream.indirect.scatter.add.f32 [tilespmem:s17], [sflag:$0x1], $0x10, s16, s16, $0xb8;
	[tilespmem:$0x1CCF0] =	vst v63  }
0x42: {  	s20 =	simm.s32 $0x7D;
	_ =	swait.ge [sflag:s15], $0x3E80  }
0x43: {  	s21 =	simm.s32 $0xFA;
	s19 =	sadd.s32 $0x7D0, s13;
	[sflag:s15] =	ssyncset.done $0x0  }
.LBB2_3:
0x44: {  	s22 =	sadd.s32 s20, s12  }
0x45: {  	[sflag:s15] =	ssyncadd.s32 $0xFFFFC180;
	s23 =	smov.u32 s21;
	s24 =	sadd.s32 $0x7D, s21  }
0x46: {  	[tilespmem:s3], [sflag:$0x1] =	stream.linear.gather [hbm4b:s22+s3], $0x3E8, $0x38;
	[tilespmem:$0x1CCF0] =	vst v63  }
0x47: {  	p1 =	seq.s32 s21, $0x3057;
	_ =	swait.ge [sflag:s15], $0x3E8  }
0x48: {  	[sflag:s15] =	ssyncset.done $0x0  }
0x49: {  	s21 =	sadd.s32 s20, s11;
	s20 =	smov.u32 s23;
	[sflag:s15] =	ssyncadd.s32 $0xFFFFFC18  }
0x4a: {  	[tilespmem:s16], [sflag:$0x1] =	stream.linear.gather [hbm4b:s21+s3], $0x3E8, $0x38;
	[tilespmem:$0x1CCF0] =	vst v63  }
0x4b: {  	_ =	swait.ge [sflag:s15], $0x3E8  }
0x4c: {  	[sflag:s15] =	ssyncset.done $0x0  }
0x4d: {  	[sflag:s15] =	ssyncadd.s32 $0xFFFFFC18  }
0x4e: {  	[tilespmem:s17], [sflag:$0x1] =	stream.linear.gather [hbm4b:s19+s3], $0x3E80, $0x38;
	[tilespmem:$0x1CCF0] =	vst v63  }
0x4f: {  	_ =	swait.ge [sflag:s15], $0x3E80  }
0x50: {  	[sflag:s15] =	ssyncset.done $0x0  }
0x51: {  	[sflag:s15] =	ssyncadd.s32 $0xFFFFC180  }
0x52: {  	[spmem:s2] =	stream.indirect.scatter.add.f32 [tilespmem:s17], [sflag:$0x1], $0x10, s3, s16, $0xb8;
	[tilespmem:$0x1CCF0] =	vst v63  }
0x53: {  	_ =	swait.ge [sflag:s15], $0x3E80  }
.Ltmp3:
0x54: {  	[sflag:s15] =	ssyncset.done $0x0;
	(pc) =	sbr.rel @!p1 .LBB2_3-.Ltmp3, $4  }
0x55: {  	[sflag:s15] =	ssyncadd.s32 $0xFFFFC180  }
0x56: {  	[spmem:s2] =	stream.indirect.scatter.add.f32 [tilespmem:s17], [sflag:$0x1], $0x10, s16, s16, $0xb8;
	[tilespmem:$0x1CCF0] =	vst v63  }
0x57: {  	_ =	swait.ge [sflag:s15], $0x3E80  }
0x58: {  	s21 =	smov.u32 s24;
	s19 =	sadd.s32 $0x7D0, s19;
	[sflag:s15] =	ssyncset.done $0x0  }
0x59: {  	s21 =	sadd.s32 s20, s12;
	[sflag:s15] =	ssyncadd.s32 $0xFFFFC180  }
0x5a: {  	[tilespmem:s3], [sflag:$0x1] =	stream.linear.gather [hbm4b:s21+s3], $0x3E8, $0x38;
	[tilespmem:$0x1CCF0] =	vst v63  }
0x5b: {  	_ =	swait.ge [sflag:s15], $0x3E8  }
0x5c: {  	[sflag:s15] =	ssyncset.done $0x0  }
0x5d: {  	s31 =	sadd.s32 s20, s11;
	[sflag:s15] =	ssyncadd.s32 $0xFFFFFC18  }
0x5e: {  	[tilespmem:s16], [sflag:$0x1] =	stream.linear.gather [hbm4b:s31+s3], $0x3E8, $0x38;
	[tilespmem:$0x1CCF0] =	vst v63  }
0x5f: {  	_ =	swait.ge [sflag:s15], $0x3E8  }
0x60: {  	[sflag:s15] =	ssyncset.done $0x0  }
0x61: {  	[sflag:s15] =	ssyncadd.s32 $0xFFFFFC18  }
0x62: {  	[tilespmem:s17], [sflag:$0x1] =	stream.linear.gather [hbm4b:s19+s3], $0x3E80, $0x38;
	[tilespmem:$0x1CCF0] =	vst v63  }
0x63: {  	_ =	swait.ge [sflag:s15], $0x3E80  }
0x64: {  	[sflag:s15] =	ssyncset.done $0x0  }
0x65: {  	[sflag:s15] =	ssyncadd.s32 $0xFFFFC180  }
0x66: {  	[spmem:s2] =	stream.indirect.scatter.add.f32 [tilespmem:s17], [sflag:$0x1], $0x10, s3, s16, $0xb8;
	[tilespmem:$0x1CCF0] =	vst v63  }
0x67: {  	_ =	swait.ge [sflag:s15], $0x3E80  }
0x68: {  	[sflag:s15] =	ssyncset.done $0x0  }
.Ltmp4:
0x69: {  	[sflag:s15] =	ssyncadd.s32 $0xFFFFC180;
	(pc) =	sbr.rel .LBB2_8-.Ltmp4, $4  }
0x6a: {  	[spmem:s2] =	stream.indirect.scatter.add.f32 [tilespmem:s17], [sflag:$0x1], $0x10, s16, s16, $0xb8;
	[tilespmem:$0x1CCF0] =	vst v63  }
0x6b: {  	_ =	swait.ge [sflag:s15], $0x3E80  }
0x6c: {  	[sflag:s15] =	ssyncset.done $0x0  }
0x6d: {  	s19 =	smov.u32 s5;
	[sflag:s15] =	ssyncadd.s32 $0xFFFFC180  }
.LBB2_5:
0x6e: {  	[tilespmem:s3], [sflag:$0x1] =	stream.linear.gather [hbm4b:s19+s3], $0x3E8, $0x38;
	[tilespmem:$0x1CCF0] =	vst v63  }
0x6f: {  	_ =	swait.ge [sflag:s15], $0x3E8  }
0x70: {  	[sflag:s15] =	ssyncset.done $0x0  }
0x71: {  	s31 =	sadd.s32 $0x0, s11;
	[sflag:s15] =	ssyncadd.s32 $0xFFFFFC18  }
0x72: {  	[tilespmem:s16], [sflag:$0x1] =	stream.linear.gather [hbm4b:s31+s3], $0x3E8, $0x38;
	[tilespmem:$0x1CCF0] =	vst v63  }
0x73: {  	_ =	swait.ge [sflag:s15], $0x3E8  }
0x74: {  	[sflag:s15] =	ssyncset.done $0x0  }
0x75: {  	[sflag:s15] =	ssyncadd.s32 $0xFFFFFC18  }
0x76: {  	[tilespmem:s17], [sflag:$0x1] =	stream.linear.gather [hbm4b:s10+s3], $0x3E80, $0x38;
	[tilespmem:$0x1CCF0] =	vst v63  }
0x77: {  	_ =	swait.ge [sflag:s15], $0x3E80  }
0x78: {  	[sflag:s15] =	ssyncset.done $0x0  }
0x79: {  	[sflag:s15] =	ssyncadd.s32 $0xFFFFC180  }
0x7a: {  	[spmem:s2] =	stream.indirect.scatter.add.f32 [tilespmem:s17], [sflag:$0x1], $0x10, s3, s16, $0xb8;
	[tilespmem:$0x1CCF0] =	vst v63  }
0x7b: {  	_ =	swait.ge [sflag:s15], $0x3E80  }
0x7c: {  	[sflag:s15] =	ssyncset.done $0x0  }
0x7d: {  	[sflag:s15] =	ssyncadd.s32 $0xFFFFC180  }
0x7e: {  	[spmem:s2] =	stream.indirect.scatter.add.f32 [tilespmem:s17], [sflag:$0x1], $0x10, s16, s16, $0xb8;
	[tilespmem:$0x1CCF0] =	vst v63  }
0x7f: {  	s20 =	simm.s32 $0x7D;
	_ =	swait.ge [sflag:s15], $0x3E80  }
0x80: {  	s21 =	simm.s32 $0xFA;
	s19 =	sadd.s32 $0x7D0, s10;
	[sflag:s15] =	ssyncset.done $0x0  }
.LBB2_6:
0x81: {  	s22 =	sadd.s32 s20, s12  }
0x82: {  	[sflag:s15] =	ssyncadd.s32 $0xFFFFC180;
	s23 =	smov.u32 s21;
	s24 =	sadd.s32 $0x7D, s21  }
0x83: {  	[tilespmem:s3], [sflag:$0x1] =	stream.linear.gather [hbm4b:s22+s3], $0x3E8, $0x38;
	[tilespmem:$0x1CCF0] =	vst v63  }
0x84: {  	p1 =	sne.s32 s21, $0x3057;
	_ =	swait.ge [sflag:s15], $0x3E8  }
0x85: {  	[sflag:s15] =	ssyncset.done $0x0  }
0x86: {  	s21 =	sadd.s32 s20, s11;
	s20 =	smov.u32 s23;
	[sflag:s15] =	ssyncadd.s32 $0xFFFFFC18  }
0x87: {  	[tilespmem:s16], [sflag:$0x1] =	stream.linear.gather [hbm4b:s21+s3], $0x3E8, $0x38;
	[tilespmem:$0x1CCF0] =	vst v63  }
0x88: {  	_ =	swait.ge [sflag:s15], $0x3E8  }
0x89: {  	[sflag:s15] =	ssyncset.done $0x0  }
0x8a: {  	[sflag:s15] =	ssyncadd.s32 $0xFFFFFC18  }
0x8b: {  	[tilespmem:s17], [sflag:$0x1] =	stream.linear.gather [hbm4b:s19+s3], $0x3E80, $0x38;
	[tilespmem:$0x1CCF0] =	vst v63  }
0x8c: {  	_ =	swait.ge [sflag:s15], $0x3E80  }
0x8d: {  	[sflag:s15] =	ssyncset.done $0x0  }
0x8e: {  	[sflag:s15] =	ssyncadd.s32 $0xFFFFC180  }
0x8f: {  	[spmem:s2] =	stream.indirect.scatter.add.f32 [tilespmem:s17], [sflag:$0x1], $0x10, s3, s16, $0xb8;
	[tilespmem:$0x1CCF0] =	vst v63  }
0x90: {  	_ =	swait.ge [sflag:s15], $0x3E80  }
.Ltmp5:
0x91: {  	[sflag:s15] =	ssyncset.done $0x0;
	(pc) =	sbr.rel @p1 .LBB2_6-.Ltmp5, $4  }
0x92: {  	[sflag:s15] =	ssyncadd.s32 $0xFFFFC180  }
0x93: {  	[spmem:s2] =	stream.indirect.scatter.add.f32 [tilespmem:s17], [sflag:$0x1], $0x10, s16, s16, $0xb8;
	[tilespmem:$0x1CCF0] =	vst v63  }
0x94: {  	_ =	swait.ge [sflag:s15], $0x3E80  }
0x95: {  	s21 =	smov.u32 s24;
	s19 =	sadd.s32 $0x7D0, s19;
	[sflag:s15] =	ssyncset.done $0x0  }
.Ltmp6:
0x96: {  	_ = 	snop;
	(pc) =	sbr.rel .LBB2_7-.Ltmp6, $1  }
0x97: {  	_ =	sdelay $0x3  }
.LBB2_9:
0x98: {  	_ =	sfence.sel $0x180000  }
0x99: {  	[bflag:$0x0] =	sbarrier.arrive $0xFFFF  }
0x9a: {  	p0 =	sne.s32 s1, $0x0;
	_ =	strace $0x90000047  }
0x9b: {  	s0 =	sadd.s32 @!p0 $0x100000, s0;
	[bflag:$0x2] =	sbarrier.arrive $0xFFFF  }
0x9c: {  	[sflag:s0] =	ssyncadd.tile.s32 @!p0 $0x1;
	_ =	shalt  }
.Lfunc_end2:
_tile_overlayer_lowered:
.L_overlay_start_2:
0x9d: {  	(tag) =	ssettag $0x2  }
0x9e: {  	s0 =	rddreg [dreg:$0x0];
	s2 =	stileid.u32  }
0x9f: {  	s1 =	rddreg [dreg:$0x1];
	p0 =	sne.s32 s2, $0x0  }
0xa0: {  	s3 =	rddreg [dreg:$0x2];
	[bflag:$0x3] =	sbarrier.arrive $0xFFFF;
	s2 =	simm.s32 @!p0 $0x1C01  }
0xa1: {  	[timem:s3], [sflag:s2] =	dma.local @!p0 [hbm:s0], s1  }
0xa2: {  	s0 =	simm.s32 @!p0 $0x1  }
0xa3: {  	_ =	swait.ge @!p0 [sflag:s0], s1  }
0xa4: {  	s1 =	ssub.s32 @!p0 $0x0, s1;
	[sflag:s0] =	ssyncset.done @!p0 $0x0  }
0xa5: {  	[sflag:s0] =	ssyncadd.s32 @!p0 s1  }
0xa6: {  	[bflag:$0x3] =	sbarrier.arrive $0xFFFF  }
0xa7: {  	_ =	shalt  }

// kernel: sparse-core-data-format-call.cloned.1.call-start
scs
called_computation_lowered:
.L_overlay_start_0:
0x0: {  	s2 =	sld [smem:$0x3FD9]  }
0x1: {  	s3 =	sld [smem:$0x3FFE];
	_ =	sdelay $0x1  }
0x2: {  	s1 =	srdreg.scid  }
0x3: {  	s0 =	sand.u32 $0x1, s1  }
0x4: {  	s18 =	sshll.u32 s0, $0xA;
	s2 =	sadd.s32 s3, s2  }
0x5: {  	s2 =	sadd.s32 s2, s18  }
0x6: {  	[smem:$0x3FC2] =	sst s2  }
0x7: {  	_ = 	snop  }
0x8: {  	s2 =	sld [smem:$0x3FD0];
	(tm) =	ssettm $0x1  }
0x9: {  	s19 =	sld [smem:$0x3FFB];
	_ =	sdelay $0x3  }
0xa: {  	_ =	strace s19  }
0xb: {  	s3 =	sld [smem:$0x3FFC];
	_ =	sdelay $0x3  }
0xc: {  	_ =	strace s3  }
0xd: {  	s3 =	sld [smem:$0x3FFD];
	_ =	sdelay $0x3  }
0xe: {  	_ =	strace s3  }
0xf: {  	_ =	strace $0x8FFFFFFF  }
0x10: {  	s20 =	sld [smem:$0x3FDB];
	_ =	sdelay $0x1  }
0x11: {  	s4 =	simm.s32 $_scs_section_size  }
0x12: {  	s5 =	simm.s32 $_size__tile_overlayer_lowered;
	s6 =	simm.s32 $_tile_overlayer_lowered  }
0x13: {  	s23 =	simm.s32 $0x1BFF;
	s22 =	sshll.u32 s6, $0x1;
	s3 =	sadd.s32 s4, s20  }
0x14: {  	s7 =	simm.s32 $0x0;
	s21 =	sshll.u32 s5, $0x1;
	s5 =	sadd.s32 s22, s3  }
0x15: {  	[timem:s7], [sflag:s23] =	dma.local [hbm:s5], s21  }
0x16: {  	_ =	swait.ge [sflag:s23], s21  }
0x17: {  	s4 =	ssub.s32 $0x0, s21;
	[sflag:s23] =	ssyncset.done $0x0  }
0x18: {  	[sflag:s23] =	ssyncadd.s32 s4;
	_ =	sdelay $0x1  }
0x19: {  	s24 =	simm.s32 $0x1B8B  }
0x1a: {  	_ =	swait.ge [sflag:s24], $0x1  }
0x1b: {  	[sflag:s24] =	ssyncset.done $0x0  }
0x1c: {  	s26 =	simm.s32 $0x1B8E;
	s25 =	sld [smem:$0x3FFE];
	[sflag:s24] =	ssyncadd.s32 $0xFFFFFFFF  }
0x1d: {  	s27 =	simm.s32 $execute0_lowered;
	[smem:$0x3FD2] =	sst s26  }
0x1e: {  	s5 =	sshll.u32 s27, $0x1;
	_ =	strace $0x8000004F;
	[dreg:$0x1] =	wrdreg $0xFFFFFFFF  }
0x1f: {  	s28 =	simm.s32 $_size_execute0_lowered;
	s3 =	sadd.s32 s3, s5;
	[dreg:$0x0] =	wrdreg $0x0  }
0x20: {  	s5 =	sshll.u32 s28, $0x1;
	[dreg:$0x2] =	wrdreg s3  }
0x21: {  	[dreg:$0x3] =	wrdreg s5  }
0x22: {  	[dreg:$0x4] =	wrdreg $0xC0  }
0x23: {  	_ =	task [dreg:s7], $0x5FFFF  }
0x24: {  	[dreg:$0x1] =	wrdreg $0xFFFFFFFF  }
0x25: {  	[dreg:$0x0] =	wrdreg $0x60  }
0x26: {  	[dreg:$0x2] =	wrdreg s25  }
0x27: {  	[dreg:$0x3] =	wrdreg s2  }
0x28: {  	[dreg:$0x4] =	wrdreg $0x9  }
0x29: {  	_ =	task.clear_ibuf [dreg:s7], $0x5FFFF;
	_ =	strace $0x9000004F  }
0x2a: {  	s29 =	simm.s32 $0x9;
	_ =	strace $0x80000051  }
0x2b: {  	_ =	swait.ge [sflag:s29], $0x1  }
0x2c: {  	[sflag:s29] =	ssyncadd.s32 $0xFFFFFFFF  }
0x2d: {  	_ =	strace $0x90000051  }
0x2e: {  	_ =	sfence  }
0x2f: {  	s30 =	sld [smem:$0x0];
	_ =	sdelay $0x2  }
0x30: {  	s31 =	sshll.u32 s1, $0xD;
	s1 =	sshrl.u32 s1, $0x2  }
0x31: {  	s3 =	sand.u32 $0x4000, s31;
	s1 =	sadd.s32 s1, s30  }
0x32: {  	s0 =	sor.u32 s3, s0;
	s1 =	sshll.u32 s1, $0x11  }
0x33: {  	s0 =	sor.u32 s1, s0  }
0x34: {  	s0 =	sadd.s32 $0x8F2B, s0  }
0x35: {  	[sflag:s0] =	ssyncadd.remote.s32 $0x1  }
0x36: {  	_ =	sfence.sel $0xFFFF  }
0x37: {  	[dreg:$0x0] =	wrdreg $0xFFFFFFFF;
	(pc) =	sbr.abs _section_cstart, $3  }
0x38: {  	[dreg:$0x1] =	wrdreg $0xFFFFFFFF  }
0x39: {  	_ =	task.clear_ibuf [dreg:s7], $0x2FFFF;
	_ =	strace $0x9FFFFFFF  }
0x3a: {  	(tm) =	ssettm $0x7FFFFFFF  }
0x3b: {  	_ =	shalt  }
tec
execute0_lowered:
.L_overlay_start_1:
0x0: {  	(tag) =	ssettag $0x1  }
0x1: {  	s0 =	srdreg.scid  }
0x2: {  	s1 =	sshll.u32 s0, $0x4  }
0x3: {  	s4 =	rddreg [dreg:$0x0];
	s0 =	stileid.u32;
	s1 =	sand.u32 $0x10, s1  }
0x4: {  	s2 =	rddreg [dreg:$0x1];
	s7 =	simm.s32 $0x1;
	s1 =	sor.u32 s0, s1  }
0x5: {  	s8 =	simm.s32 $0x2;
	s11 =	simm.s32 $0x0;
	s3 =	sshll.u32 s1, $0x7  }
0x6: {  	s10 =	simm.s32 $0x0;
	s4 =	sadd.s32 $0x1039000, s4;
	s6 =	ssub.s32 $0x186A00, s3  }
.Ltmp0:
0x7: {  	s1 =	rddreg [dreg:$0x2];
	s5 =	sand.u32 $0xF80, s6;
	(pc) =	sbr.rel .LBB1_1-.Ltmp0, $4  }
0x8: {  	_ =	strace $0x80000050;
	s9 =	smov.u32 s3;
	p0 =	sne.s32 s5, $0x0  }
0x9: {  	s6 =	sshrl.u32 s6, $0xC;
	s5 =	simm.s32 $0x1;
	s7 =	simm.s32 @!p0 $0x0  }
0xa: {  	[sflag:s5] =	ssyncpa.u1 $0x0;
	p0 =	por $0x0, $0x0;
	s6 =	sadd.s32 s7, s6  }
0xb: {  	[sflag:s8] =	ssyncpa.u1 $0x0;
	s8 =	simm.s32 $0xC35000;
	s7 =	sadd.s32 $0x1, s6  }
.LBB1_4:
0xc: {  	s14 =	sshll.u32 s11, $0x3  }
0xd: {  	s14 =	sand.u32 $0xFFFFFC00, s14  }
0xe: {  	s15 =	sshrl.u32 s14, $0x9  }
0xf: {  	s15 =	smulhi.u32 $0xA7C5AD, s15;
	_ =	sdelay $0x1  }
0x10: {  	s15 =	sshrl.u32 s15, $0x3  }
0x11: {  	s28 =	sand.u32 $0x7F, s11;
	s16 =	smul.u32 $0x186A00, s15  }
0x12: {  	[tilespmem:s12+$0xFFFFFFFC ss:$0x81] =	vst.msk $0xffff, v0;
	s11 =	sor.u32 s28, s14  }
0x13: {  	[tilespmem:s12+$0xFFFFFFFD ss:$0x81] =	vst.msk $0xffff, v3;
	s29 =	sand.u32 $0xF, s15;
	s11 =	ssub.s32 s11, s16  }
0x14: {  	[tilespmem:s12+$0xFFFFFFFE ss:$0x81] =	vst.msk $0xffff, v1;
	s14 =	smul.u32 $0x30D40, s29;
	s30 =	sshrl.u32 s11, $0x3;
	s11 =	sand.u32 $0x7, s11  }
0x15: {  	[tilespmem:s12+$0xFFFFFFFF ss:$0x81] =	vst.msk $0xffff, v4;
	s15 =	sadd.s32 s2, s30;
	s11 =	sshll.u32 s11, $0x12  }
0x16: {  	[tilespmem:s12+$0xFFFFFFF9 ss:$0x81] =	vst.msk $0xffff, v2;
	s31 =	sadd.s32 s14, s15;
	s11 =	sor.u32 $0x400, s11  }
0x17: {  	[hbm4b:s31+s11] =	stream.strided.scatter [tilespmem:s13], [sflag:$0x2], $0x800, s8, s11, $0x20;
	[tilespmem:$0x2020] =	vst v63  }
.LBB1_5:
0x18: {  	s13 =	sadd.s32 $0x1000, s9  }
0x19: {  	p2 =	sgt.s32 s13, $0x1869FF  }
0x1a: {  	s13 =	smov.u32 @p2 s3;
	p2 =	sne.s32 s10, s7  }
.Ltmp1:
0x1b: {  	p1 =	slt.u32 s10, $0x2;
	(pc) =	sbr.rel @!p2 .LBB1_6-.Ltmp1, $4  }
0x1c: {  	s12 =	simm.s32 @!p1 $0x2  }
0x1d: {  	s14 =	sadd.s32 $0x1, s10;
	_ =	swait.ge @!p1 [sflag:s12], $0x800  }
0x1e: {  	s11 =	smov.u32 s9;
	p0 =	por !p0, !p0;
	[sflag:s12] =	ssyncset.done @!p1 $0x0  }
0x1f: {  	s10 =	smov.u32 s14;
	s9 =	smov.u32 s13;
	[sflag:s12] =	ssyncadd.s32 @!p1 $0xFFFFF800  }
.LBB1_1:
0x20: {  	p1 =	sge.u32 s10, s6  }
0x21: {  	s12 =	sand.u32 @!p1 $0x1FFFFFF, s9  }
0x22: {  	s13 =	smulhi.u32 @!p1 $0x14F8B59, s12;
	_ =	sdelay $0x1  }
0x23: {  	s13 =	sshrl.u32 @!p1 s13, $0xD  }
0x24: {  	s13 =	smul.u32 @!p1 $0x186A00, s13;
	_ =	sdelay $0x1  }
0x25: {  	s31 =	sadd.s32 $0xFFFFFFFF, s10;
	s14 =	sxor.u32 @!p1 $0xFFFFFFFF, s10;
	s12 =	ssub.s32 @!p1 s12, s13  }
0x26: {  	s15 =	simm.s32 @!p1 $0x80;
	s14 =	sshll.u32 @!p1 s14, $0xB;
	s12 =	sshll.u32 @!p1 s12, $0x4  }
0x27: {  	s13 =	sand.u32 @!p1 $0x800, s14;
	s14 =	simm.s32 @!p1 $0x10;
	s12 =	sadd.s32 @!p1 s4, s12  }
0x28: {  	[tilespmem:s13], [sflag:$0x1] =	stream.strided.gather @!p1 [hbm4b:s12+s14], $0x800, s15, s14, $0x38;
	[tilespmem:$0x2020] =	vst v63  }
0x29: {  	p1 =	sge.u32 s31, s6  }
.Ltmp2:
0x2a: {  	_ = 	snop;
	(pc) =	sbr.rel @p1 .LBB1_5-.Ltmp2, $1  }
0x2b: {  	_ =	sdelay $0x3  }
0x2c: {  	s12 =	simm.s32 $0x1  }
0x2d: {  	_ =	swait.ge [sflag:s5], $0x800;
	s12 =	simm.s32 @!p0 $0x0  }
0x2e: {  	[sflag:s5] =	ssyncset.done $0x0;
	s13 =	sshll.u32 s12, $0xB  }
0x2f: {  	[sflag:s5] =	ssyncadd.s32 $0xFFFFF800;
	s15 =	sor.u32 $0x40, s13  }
0x30: {  	v2 =	vld [tilespmem:s15+$0x30]  }
0x31: {  	s12 =	smul.u32 $0x2040, s12;
	v4 =	vld [tilespmem:s15+$0xFFFFFFD0]  }
0x32: {  	v5 =	vld [tilespmem:s15+$0xFFFFFFE0]  }
0x33: {  	s31 =	sand.u32 $0x1, s10;
	s12 =	sshrl.u32 s12, $0x2;
	v0 =	vld [tilespmem:s15+$0xFFFFFFF0]  }
0x34: {  	s13 =	smul.u32 $0x2040, s31;
	v3 =	vld [tilespmem:s15+$0x0];
	s12 =	sor.u32 $0x1007, s12  }
0x35: {  	v1 =	vld [tilespmem:s15+$0x10];
	[tilespmem:s12+$0x0 ss:$0x81] =	vst.msk $0xffff, v2  }
0x36: {  	s13 =	sshrl.u32 s13, $0x2;
	[tilespmem:s12+$0xFFFFFFFA ss:$0x81] =	vst.msk $0xffff, v4;
	v4 =	vld [tilespmem:s15+$0x20]  }
0x37: {  	s14 =	simm.s32 $0x0;
	s13 =	sor.u32 $0x1000, s13;
	v2 =	vld [tilespmem:s15+$0xFFFFFFC0];
	[tilespmem:s12+$0xFFFFFFFB ss:$0x81] =	vst.msk $0xffff, v5;
	s15 =	sadd.s32 $0x80, s15  }
.LBB1_3:
0x38: {  	v5 =	vld [tilespmem:s15+$0x30];
	s14 =	sadd.s32 $0x8, s14;
	[tilespmem:s12+$0xFFFFFFFC ss:$0x81] =	vst.msk $0xffff, v0  }
0x39: {  	v6 =	vld [tilespmem:s15+$0xFFFFFFD0];
	p1 =	slt.u32 s14, $0x78;
	[tilespmem:s12+$0xFFFFFFFD ss:$0x81] =	vst.msk $0xffff, v3  }
0x3a: {  	v7 =	vld [tilespmem:s15+$0xFFFFFFE0];
	[tilespmem:s12+$0xFFFFFFFE ss:$0x81] =	vst.msk $0xffff, v1  }
.Ltmp3:
0x3b: {  	v0 =	vld [tilespmem:s15+$0xFFFFFFF0];
	[tilespmem:s12+$0xFFFFFFFF ss:$0x81] =	vst.msk $0xffff, v4;
	(pc) =	sbr.rel @p1 .LBB1_3-.Ltmp3, $4  }
0x3c: {  	v3 =	vld [tilespmem:s15+$0x0];
	[tilespmem:s12+$0xFFFFFFF9 ss:$0x81] =	vst.msk $0xffff, v2;
	s12 =	sadd.s32 $0x8, s12  }
0x3d: {  	v1 =	vld [tilespmem:s15+$0x10];
	[tilespmem:s12+$0x0 ss:$0x81] =	vst.msk $0xffff, v5  }
0x3e: {  	[tilespmem:s12+$0xFFFFFFFA ss:$0x81] =	vst.msk $0xffff, v6;
	v4 =	vld [tilespmem:s15+$0x20]  }
0x3f: {  	v2 =	vld [tilespmem:s15+$0xFFFFFFC0];
	[tilespmem:s12+$0xFFFFFFFB ss:$0x81] =	vst.msk $0xffff, v7;
	s15 =	sadd.s32 $0x80, s15  }
.Ltmp4:
0x40: {  	_ = 	snop;
	(pc) =	sbr.rel .LBB1_4-.Ltmp4, $1  }
0x41: {  	_ =	sdelay $0x3  }
.LBB1_6:
0x42: {  	_ =	sfence.sel $0x180000  }
0x43: {  	s2 =	simm.s32 $0x1;
	[bflag:$0x0] =	sbarrier.arrive $0xFFFF  }
0x44: {  	s31 =	simm.s32 $0x2;
	[sflag:s2] =	ssyncpa.u1 $0x1  }
0x45: {  	[sflag:s31] =	ssyncpa.u1 $0x1  }
0x46: {  	p0 =	sne.s32 s0, $0x0;
	_ =	strace $0x90000050  }
0x47: {  	s0 =	sadd.s32 @!p0 $0x100000, s1;
	[bflag:$0x2] =	sbarrier.arrive $0xFFFF  }
0x48: {  	[sflag:s0] =	ssyncadd.tile.s32 @!p0 $0x1;
	_ =	shalt  }
.Lfunc_end1:
_tile_overlayer_lowered:
.L_overlay_start_2:
0x49: {  	(tag) =	ssettag $0x2  }
0x4a: {  	s0 =	rddreg [dreg:$0x0];
	s2 =	stileid.u32  }
0x4b: {  	s1 =	rddreg [dreg:$0x1];
	p0 =	sne.s32 s2, $0x0  }
0x4c: {  	s3 =	rddreg [dreg:$0x2];
	[bflag:$0x3] =	sbarrier.arrive $0xFFFF;
	s2 =	simm.s32 @!p0 $0x1C01  }
0x4d: {  	[timem:s3], [sflag:s2] =	dma.local @!p0 [hbm:s0], s1  }
0x4e: {  	s0 =	simm.s32 @!p0 $0x1  }
0x4f: {  	_ =	swait.ge @!p0 [sflag:s0], s1  }
0x50: {  	s1 =	ssub.s32 @!p0 $0x0, s1;
	[sflag:s0] =	ssyncset.done @!p0 $0x0  }
0x51: {  	[sflag:s0] =	ssyncadd.s32 @!p0 s1  }
0x52: {  	[bflag:$0x3] =	sbarrier.arrive $0xFFFF  }
0x53: {  	_ =	shalt  }

</sc_bundles>
